<compile_context>
chip_gen: v7x
topology: tpu7x:2x2x1
jax: 0.10.2.dev20260603
libtpu: 0.0.44.dev20260713+nightly
codegen_flags: <defaults>
</compile_context>

<pallas_src>
import functools

import jax
import jax.numpy as jnp
from jax import lax
from jax.experimental import pallas as pl
from jax.experimental.pallas import tpu as pltpu
from jax.experimental.pallas import tpu_sc as plsc

_N = 10000
_E = 160000
_D = 128
_DE = 11

_ROWF = 304
_ROW = 160
_OZ = 0
_OU = 64
_OP = 128
_OQ = 136
_OD = 144
_NZW = _D // 2

_EDW = 16
_ACC_W = 144
_NC = 2
_NS = 16
_NTILES = _NC * _NS
_E_PAD = 163840
_EPT = _E_PAD // _NTILES
_B = 32
_NCHUNK = _EPT // _B
_NPAIR = _NCHUNK // 2
_N_PAD = 10240
_NPT = _N_PAD // _NS
_ZROWS = 8

_f32 = jnp.float32
_i32 = jnp.int32
_bf16 = jnp.bfloat16


def _dotT(a, b):
    return lax.dot_general(a, b, (((1,), (1,)), ((), ())), preferred_element_type=_f32)


def _dot(a, b):
    return lax.dot_general(a, b, (((1,), (0,)), ((), ())), preferred_element_type=_f32)


_BN = 400


def _node_prepass_body(h_ref, wl_ref, wq_ref, wk_ref, we_ref, out_ref):
    h = h_ref[...]
    wl = wl_ref[...]
    wq = wq_ref[...]
    wk = wk_ref[...]
    we = we_ref[...]
    z = _dotT(h, wl)
    u = _dot(_dotT(z, wq), wk)
    qpre = _dot(_dotT(z, wk), wq)
    p16 = _dot(u, we)
    q16 = _dot(qpre, we)
    d = jnp.sum(z * u, axis=1, keepdims=True)
    out_ref[:, 0:128] = z
    out_ref[:, 128:256] = u
    out_ref[:, 256:272] = p16
    out_ref[:, 272:288] = q16
    out_ref[:, 288:304] = jnp.concatenate(
        [d, jnp.zeros((_BN, 15), _f32)], axis=1)


_BE = 2048


def _edge_prepass_body(ef_ref, wq_ref, wk_ref, we_ref, out_ref):
    ef = ef_ref[...]
    we = we_ref[...]
    a1 = _dot(wq_ref[...], we)
    a2 = _dot(wk_ref[...], we)
    qe = lax.dot_general(a1, a2, (((0,), (0,)), ((), ())),
                         preferred_element_type=_f32)
    t = _dot(ef, qe)
    s22 = jnp.sum(t * ef, axis=1, keepdims=True)
    out_ref[...] = jnp.concatenate(
        [ef[:, :_DE], jnp.zeros((_BE, 1), _f32), s22,
         jnp.zeros((_BE, 3), _f32)], axis=1)


def _pack_pairs(x):
    xb = x.astype(_bf16)
    xi = lax.bitcast_convert_type(xb, jnp.uint16).astype(jnp.uint32)
    pk = xi[:, 0::2] | (xi[:, 1::2] << 16)
    return lax.bitcast_convert_type(pk, _f32)


def _unp(w):
    return plsc.unpack(plsc.bitcast(w, _bf16), format=plsc.PackFormat.INTERLEAVED)


def _sc_body(g_hbm, ed_hbm, src_hbm, dst_hbm, acc_hbm,
             src_a, dst_a, gs_a, gd_a, ed_a,
             src_b, dst_b, gs_b, gd_b, ed_b,
             out_v, zb_v, acc_sh, sem_a, sem_b):
    cid = lax.axis_index("c")
    sid = lax.axis_index("s")
    tile = cid * _NS + sid
    iota = lax.iota(_i32, 16)
    zeros16 = jnp.zeros((16,), _f32)

    for r in range(_ZROWS):
        for j in range(_ACC_W // 16):
            zb_v[r, pl.ds(j * 16, 16)] = zeros16

    def _zero_chunk(k, carry):
        pltpu.sync_copy(zb_v, acc_sh.at[pl.ds(sid * _NPT + k * _ZROWS, _ZROWS)])
        return carry

    lax.fori_loop(0, _NPT // _ZROWS, _zero_chunk, 0)

    for r in range(_B):
        out_v[r, pl.ds(128, 16)] = zeros16

    plsc.subcore_barrier()

    base_t = tile * _EPT

    def _lin(c, sbuf, dbuf, ebuf):
        b = base_t + c * _B
        pltpu.sync_copy(src_hbm.at[pl.ds(b, _B)], sbuf)
        pltpu.sync_copy(dst_hbm.at[pl.ds(b, _B)], dbuf)
        pltpu.sync_copy(ed_hbm.at[pl.ds(b, _B)], ebuf)

    def _gat_issue(sbuf, dbuf, gs, gd, sem):
        pltpu.async_copy(g_hbm.at[sbuf], gs, sem)
        pltpu.async_copy(g_hbm.at[dbuf], gd, sem)

    def _gat_wait(sbuf, dbuf, gs, gd, sem):
        pltpu.make_async_copy(g_hbm.at[sbuf], gs, sem).wait()
        pltpu.make_async_copy(g_hbm.at[dbuf], gd, sem).wait()

    def _compute(gs, gd, ed, dbuf, c):
        del gs, gd, ed, c
        pltpu.sync_copy(out_v, acc_sh.at[dbuf], add=True)

    _lin(0, src_a, dst_a, ed_a)
    _gat_issue(src_a, dst_a, gs_a, gd_a, sem_a)

    def _pair(c2, carry):
        c0 = 2 * c2
        _lin(c0 + 1, src_b, dst_b, ed_b)
        _gat_issue(src_b, dst_b, gs_b, gd_b, sem_b)
        _gat_wait(src_a, dst_a, gs_a, gd_a, sem_a)
        _compute(gs_a, gd_a, ed_a, dst_a, c0)

        @pl.when(c2 + 1 < _NPAIR)
        def _():
            _lin(c0 + 2, src_a, dst_a, ed_a)
            _gat_issue(src_a, dst_a, gs_a, gd_a, sem_a)

        _gat_wait(src_b, dst_b, gs_b, gd_b, sem_b)
        _compute(gs_b, gd_b, ed_b, dst_b, c0 + 1)
        return carry

    lax.fori_loop(0, _NPAIR, _pair, 0)

    plsc.subcore_barrier()
    lo = sid * _NPT
    pltpu.sync_copy(acc_sh.at[pl.ds(lo, _NPT)],
                    acc_hbm.at[cid, pl.ds(lo, _NPT)])


@functools.cache
def _sc_aggregate():
    return pl.kernel(
        _sc_body,
        out_type=jax.ShapeDtypeStruct((_NC, _N_PAD, _ACC_W), _f32),
        mesh=plsc.VectorSubcoreMesh(
            core_axis_name="c", subcore_axis_name="s",
            num_cores=_NC, num_subcores=_NS),
        compiler_params=pltpu.CompilerParams(
            use_tc_tiling_on_sc=False, needs_layout_passes=False),
        scratch_types=[
            pltpu.VMEM((_B,), _i32),
            pltpu.VMEM((_B,), _i32),
            pltpu.VMEM((_B, _ROW), _f32),
            pltpu.VMEM((_B, _ROW), _f32),
            pltpu.VMEM((_B, _EDW), _f32),
            pltpu.VMEM((_B,), _i32),
            pltpu.VMEM((_B,), _i32),
            pltpu.VMEM((_B, _ROW), _f32),
            pltpu.VMEM((_B, _ROW), _f32),
            pltpu.VMEM((_B, _EDW), _f32),
            pltpu.VMEM((_B, _ACC_W), _f32),
            pltpu.VMEM((_ZROWS, _ACC_W), _f32),
            pltpu.VMEM_SHARED((_N_PAD, _ACC_W), _f32),
            pltpu.SemaphoreType.DMA,
            pltpu.SemaphoreType.DMA,
        ],
    )


def _post_body(acc_ref, z_ref, we_ref, wv_ref, g_ref, b_ref, out_ref):
    acc = acc_ref[0] + acc_ref[1]
    s0 = acc[:, 0:128]
    c1 = acc[:, 128:129]
    cnt = acc[:, 129:130]
    efa = acc[:, 130:141]
    z = z_ref[...]
    r2 = _dotT(efa, we_ref[...])
    pre = s0 + c1 * z + r2
    inv = 1.0 / jnp.maximum(cnt, 1.0)
    hn = _dotT(pre * inv, wv_ref[...])
    r = jnp.maximum(hn, 0.0)
    mean = jnp.mean(r, axis=1, keepdims=True)
    var = jnp.mean((r - mean) ** 2, axis=1, keepdims=True)
    out_ref[...] = (r - mean) * lax.rsqrt(var + 1e-5) * g_ref[...] + b_ref[...]


def kernel(h, edge_index, e_f, W_l, W_e, W_q, W_k, W_v, gamma, beta):
    we16 = jnp.pad(W_e, ((0, 0), (0, 16 - _DE)))

    G = pl.pallas_call(
        _node_prepass_body,
        grid=(_N // _BN,),
        in_specs=[
            pl.BlockSpec((_BN, _D), lambda i: (i, 0)),
            pl.BlockSpec((_D, _D), lambda i: (0, 0)),
            pl.BlockSpec((_D, _D), lambda i: (0, 0)),
            pl.BlockSpec((_D, _D), lambda i: (0, 0)),
            pl.BlockSpec((_D, 16), lambda i: (0, 0)),
        ],
        out_specs=pl.BlockSpec((_BN, _ROWF), lambda i: (i, 0)),
        out_shape=jax.ShapeDtypeStruct((_N, _ROWF), _f32),
    )(h, W_l, W_q, W_k, we16)

    Gp = jnp.concatenate([
        _pack_pairs(G[:, 0:128]),
        _pack_pairs(G[:, 128:256]),
        _pack_pairs(G[:, 256:272]),
        _pack_pairs(G[:, 272:288]),
        G[:, 288:289],
        jnp.zeros((_N, _ROW - 145), _f32),
    ], axis=1)

    ef16 = jnp.pad(e_f, ((0, _E_PAD - _E), (0, 16 - _DE)))
    ED = pl.pallas_call(
        _edge_prepass_body,
        grid=(_E_PAD // _BE,),
        in_specs=[
            pl.BlockSpec((_BE, 16), lambda i: (i, 0)),
            pl.BlockSpec((_D, _D), lambda i: (0, 0)),
            pl.BlockSpec((_D, _D), lambda i: (0, 0)),
            pl.BlockSpec((_D, 16), lambda i: (0, 0)),
        ],
        out_specs=pl.BlockSpec((_BE, 16), lambda i: (i, 0)),
        out_shape=jax.ShapeDtypeStruct((_E_PAD, 16), _f32),
    )(ef16, W_q, W_k, we16)

    srcp = jnp.pad(edge_index[0], (0, _E_PAD - _E))
    dstp = jnp.pad(edge_index[1], (0, _E_PAD - _E))

    acc = _sc_aggregate()(Gp, ED, srcp, dstp)

    out = pl.pallas_call(
        _post_body,
        grid=(_N // _BN,),
        in_specs=[
            pl.BlockSpec((_NC, _BN, _ACC_W), lambda i: (0, i, 0)),
            pl.BlockSpec((_BN, _D), lambda i: (i, 0)),
            pl.BlockSpec((_D, _DE), lambda i: (0, 0)),
            pl.BlockSpec((_D, _D), lambda i: (0, 0)),
            pl.BlockSpec((1, _D), lambda i: (0, 0)),
            pl.BlockSpec((1, _D), lambda i: (0, 0)),
        ],
        out_specs=pl.BlockSpec((_BN, _D), lambda i: (i, 0)),
        out_shape=jax.ShapeDtypeStruct((_N, _D), _f32),
    )(acc, G, W_e, W_v, gamma.reshape(1, _D), beta.reshape(1, _D))
    return out

# --- scband reference (transcript-rebuilt; emitter-appended) ---
"""Pipeline reference for scband-gatlayer-adde-60971355734168 (READ-ONLY COPY).

The authoritative reference and input builder live on the scoring server;
editing this copy changes nothing except your own understanding.
"""

import jax, jax.numpy as jnp
import numpy as np

N = 10000
E = 160000
D = 128
DE = 11

def setup_inputs(seed: int = 0) -> dict:
    key = jax.random.key(seed)
    ks = jax.random.split(key, 10)
    h = jax.random.normal(ks[0], (N, D), dtype=jnp.float32)
    edge_index = jax.random.randint(ks[1], (2, E), 0, N, dtype=jnp.int32)
    e_f = jax.random.normal(ks[2], (E, DE), dtype=jnp.float32)
    s = 1.0 / np.sqrt(D)
    se = 1.0 / np.sqrt(DE)
    W_l = jax.random.uniform(ks[3], (D, D), jnp.float32, -s, s)
    W_e = jax.random.uniform(ks[4], (D, DE), jnp.float32, -se, se)
    W_q = jax.random.uniform(ks[5], (D, D), jnp.float32, -s, s)
    W_k = jax.random.uniform(ks[6], (D, D), jnp.float32, -s, s)
    W_v = jax.random.uniform(ks[7], (D, D), jnp.float32, -s, s)
    gamma = jnp.ones((D,), jnp.float32)
    beta = jnp.zeros((D,), jnp.float32)
    return {"h": h, "edge_index": edge_index, "e_f": e_f, "W_l": W_l, "W_e": W_e, "W_q": W_q, "W_k": W_k, "W_v": W_v, "gamma": gamma, "beta": beta}

def reference(h, edge_index, e_f, W_l, W_e, W_q, W_k, W_v, gamma, beta):
    z = h @ W_l.T                      # linear_func (no bias)
    e = e_f @ W_e.T                    # linear_func_e (no bias)
    src = edge_index[0]
    dst = edge_index[1]
    # message_func: per-edge stack of [src_z, dst_z, e_f] -> tiny 3-token self-attention
    x = jnp.stack([jnp.take(z, src, axis=0), jnp.take(z, dst, axis=0), e], axis=1)  # [E,3,D]
    Q = x @ W_q.T
    K = x @ W_k.T
    V = x @ W_v.T
    attn = jax.nn.softmax(jnp.einsum('eid,ejd->eij', Q, K), axis=-1)  # [E,3,3]
    m = jnp.einsum('eij,ejd->eid', attn, V).sum(axis=1)               # [E,D]
    # reduce_func: mean over incoming edges per dst node
    sums = jax.ops.segment_sum(m, dst, num_segments=N)
    cnt = jax.ops.segment_sum(jnp.ones((E,), jnp.float32), dst, num_segments=N)
    h_new = jnp.where(cnt[:, None] > 0, sums / jnp.maximum(cnt, 1.0)[:, None], 0.0)
    r = jax.nn.relu(h_new)
    mean = r.mean(axis=-1, keepdims=True)
    var = r.var(axis=-1, keepdims=True)
    out = (r - mean) / jnp.sqrt(var + 1e-5) * gamma + beta
    return out

if __name__ == "__main__":
    import jax
    _d = setup_inputs()
    print(jax.jit(kernel)(*tuple(_d.values())))

</pallas_src>

<mosaic_0001>
#map = affine_map<(d0, d1) -> (0, 0)>
#map1 = affine_map<(d0, d1) -> (0)>
#map2 = affine_map<(d0, d1) -> (0, 0, 0)>
module attributes {stable_mosaic.version = 14 : i64} {
  func.func @_sc_body(%arg0: i32, %arg1: i32, %arg2: memref<10000x160xf32, #tpu.memory_space<hbm>>, %arg3: memref<163840x16xf32, #tpu.memory_space<hbm>>, %arg4: memref<163840xi32, #tpu.memory_space<hbm>>, %arg5: memref<163840xi32, #tpu.memory_space<hbm>>, %arg6: memref<2x10240x144xf32, #tpu.memory_space<hbm>>, %arg7: memref<32xi32, #tpu.memory_space<vmem>>, %arg8: memref<32xi32, #tpu.memory_space<vmem>>, %arg9: memref<32x160xf32, #tpu.memory_space<vmem>>, %arg10: memref<32x160xf32, #tpu.memory_space<vmem>>, %arg11: memref<32x16xf32, #tpu.memory_space<vmem>>, %arg12: memref<32xi32, #tpu.memory_space<vmem>>, %arg13: memref<32xi32, #tpu.memory_space<vmem>>, %arg14: memref<32x160xf32, #tpu.memory_space<vmem>>, %arg15: memref<32x160xf32, #tpu.memory_space<vmem>>, %arg16: memref<32x16xf32, #tpu.memory_space<vmem>>, %arg17: memref<32x144xf32, #tpu.memory_space<vmem>>, %arg18: memref<8x144xf32, #tpu.memory_space<vmem>>, %arg19: memref<10240x144xf32, #tpu.memory_space<vmem_shared>>, %arg20: memref<!tpu.dma_semaphore, #tpu.memory_space<semaphore_mem>>, %arg21: memref<!tpu.dma_semaphore, #tpu.memory_space<semaphore_mem>>) attributes {dimension_semantics = [#tpu.dimension_semantics<core_parallel>, #tpu.dimension_semantics<subcore_parallel>], iteration_bounds = array<i64: 2, 16>, scalar_prefetch = 0 : i64, scratch_operands = 15 : i64, tpu.core_type = #tpu.core_type<sc_vector_subcore>, window_params = [{transform_indices = #map}, {transform_indices = #map}, {transform_indices = #map1}, {transform_indices = #map1}, {transform_indices = #map2}]} {
    %mul3A = arith.constant 16 : i32
    %mul3A_0 = arith.muli %arg0, %mul3A : i32
    %add3A = arith.addi %mul3A_0, %arg1 : i32
    %iota3A = tpu.iota {dimensions = array<i32: 0>} : vector<16xi32>
    %broadcast_in_dim3A = arith.constant 0.000000e+00 : f32
    %broadcast_in_dim3A_1 = vector.broadcast %broadcast_in_dim3A : f32 to vector<16xf32>
    %swap3A = arith.constant 0 : i32
    %swap3A_2 = arith.index_cast %swap3A : i32 to index
    %swap3A_3 = arith.constant 0 : index
    %swap3A_4 = tpu.vector_load %arg18[%swap3A_2, %swap3A_3] {strides = array<i32>} : memref<8x144xf32, #tpu.memory_space<vmem>>, vector<16xf32>,
    tpu.vector_store %arg18[%swap3A_2, %swap3A_3], %broadcast_in_dim3A_1 {strides = array<i32>} : memref<8x144xf32, #tpu.memory_space<vmem>>, vector<16xf32>,
    %swap3A_5 = arith.constant 0 : i32
    %swap3A_6 = arith.index_cast %swap3A_5 : i32 to index
    %swap3A_7 = arith.constant 16 : index
    %swap3A_8 = tpu.vector_load %arg18[%swap3A_6, %swap3A_7] {strides = array<i32>} : memref<8x144xf32, #tpu.memory_space<vmem>>, vector<16xf32>,
    tpu.vector_store %arg18[%swap3A_6, %swap3A_7], %broadcast_in_dim3A_1 {strides = array<i32>} : memref<8x144xf32, #tpu.memory_space<vmem>>, vector<16xf32>,
    %swap3A_9 = arith.constant 0 : i32
    %swap3A_10 = arith.index_cast %swap3A_9 : i32 to index
    %swap3A_11 = arith.constant 32 : index
    %swap3A_12 = tpu.vector_load %arg18[%swap3A_10, %swap3A_11] {strides = array<i32>} : memref<8x144xf32, #tpu.memory_space<vmem>>, vector<16xf32>,
    tpu.vector_store %arg18[%swap3A_10, %swap3A_11], %broadcast_in_dim3A_1 {strides = array<i32>} : memref<8x144xf32, #tpu.memory_space<vmem>>, vector<16xf32>,
    %swap3A_13 = arith.constant 0 : i32
    %swap3A_14 = arith.index_cast %swap3A_13 : i32 to index
    %swap3A_15 = arith.constant 48 : index
    %swap3A_16 = tpu.vector_load %arg18[%swap3A_14, %swap3A_15] {strides = array<i32>} : memref<8x144xf32, #tpu.memory_space<vmem>>, vector<16xf32>,
    tpu.vector_store %arg18[%swap3A_14, %swap3A_15], %broadcast_in_dim3A_1 {strides = array<i32>} : memref<8x144xf32, #tpu.memory_space<vmem>>, vector<16xf32>,
    %swap3A_17 = arith.constant 0 : i32
    %swap3A_18 = arith.index_cast %swap3A_17 : i32 to index
    %swap3A_19 = arith.constant 64 : index
    %swap3A_20 = tpu.vector_load %arg18[%swap3A_18, %swap3A_19] {strides = array<i32>} : memref<8x144xf32, #tpu.memory_space<vmem>>, vector<16xf32>,
    tpu.vector_store %arg18[%swap3A_18, %swap3A_19], %broadcast_in_dim3A_1 {strides = array<i32>} : memref<8x144xf32, #tpu.memory_space<vmem>>, vector<16xf32>,
    %swap3A_21 = arith.constant 0 : i32
    %swap3A_22 = arith.index_cast %swap3A_21 : i32 to index
    %swap3A_23 = arith.constant 80 : index
    %swap3A_24 = tpu.vector_load %arg18[%swap3A_22, %swap3A_23] {strides = array<i32>} : memref<8x144xf32, #tpu.memory_space<vmem>>, vector<16xf32>,
    tpu.vector_store %arg18[%swap3A_22, %swap3A_23], %broadcast_in_dim3A_1 {strides = array<i32>} : memref<8x144xf32, #tpu.memory_space<vmem>>, vector<16xf32>,
    %swap3A_25 = arith.constant 0 : i32
    %swap3A_26 = arith.index_cast %swap3A_25 : i32 to index
    %swap3A_27 = arith.constant 96 : index
    %swap3A_28 = tpu.vector_load %arg18[%swap3A_26, %swap3A_27] {strides = array<i32>} : memref<8x144xf32, #tpu.memory_space<vmem>>, vector<16xf32>,
    tpu.vector_store %arg18[%swap3A_26, %swap3A_27], %broadcast_in_dim3A_1 {strides = array<i32>} : memref<8x144xf32, #tpu.memory_space<vmem>>, vector<16xf32>,
    %swap3A_29 = arith.constant 0 : i32
    %swap3A_30 = arith.index_cast %swap3A_29 : i32 to index
    %swap3A_31 = arith.constant 112 : index
    %swap3A_32 = tpu.vector_load %arg18[%swap3A_30, %swap3A_31] {strides = array<i32>} : memref<8x144xf32, #tpu.memory_space<vmem>>, vector<16xf32>,
    tpu.vector_store %arg18[%swap3A_30, %swap3A_31], %broadcast_in_dim3A_1 {strides = array<i32>} : memref<8x144xf32, #tpu.memory_space<vmem>>, vector<16xf32>,
    %swap3A_33 = arith.constant 0 : i32
    %swap3A_34 = arith.index_cast %swap3A_33 : i32 to index
    %swap3A_35 = arith.constant 128 : index
    %swap3A_36 = tpu.vector_load %arg18[%swap3A_34, %swap3A_35] {strides = array<i32>} : memref<8x144xf32, #tpu.memory_space<vmem>>, vector<16xf32>,
    tpu.vector_store %arg18[%swap3A_34, %swap3A_35], %broadcast_in_dim3A_1 {strides = array<i32>} : memref<8x144xf32, #tpu.memory_space<vmem>>, vector<16xf32>,
    %swap3A_37 = arith.constant 1 : i32
    %swap3A_38 = arith.index_cast %swap3A_37 : i32 to index
    %swap3A_39 = arith.constant 0 : index
    %swap3A_40 = tpu.vector_load %arg18[%swap3A_38, %swap3A_39] {strides = array<i32>} : memref<8x144xf32, #tpu.memory_space<vmem>>, vector<16xf32>,
    tpu.vector_store %arg18[%swap3A_38, %swap3A_39], %broadcast_in_dim3A_1 {strides = array<i32>} : memref<8x144xf32, #tpu.memory_space<vmem>>, vector<16xf32>,
    %swap3A_41 = arith.constant 1 : i32
    %swap3A_42 = arith.index_cast %swap3A_41 : i32 to index
    %swap3A_43 = arith.constant 16 : index
    %swap3A_44 = tpu.vector_load %arg18[%swap3A_42, %swap3A_43] {strides = array<i32>} : memref<8x144xf32, #tpu.memory_space<vmem>>, vector<16xf32>,
    tpu.vector_store %arg18[%swap3A_42, %swap3A_43], %broadcast_in_dim3A_1 {strides = array<i32>} : memref<8x144xf32, #tpu.memory_space<vmem>>, vector<16xf32>,
    %swap3A_45 = arith.constant 1 : i32
    %swap3A_46 = arith.index_cast %swap3A_45 : i32 to index
    %swap3A_47 = arith.constant 32 : index
    %swap3A_48 = tpu.vector_load %arg18[%swap3A_46, %swap3A_47] {strides = array<i32>} : memref<8x144xf32, #tpu.memory_space<vmem>>, vector<16xf32>,
    tpu.vector_store %arg18[%swap3A_46, %swap3A_47], %broadcast_in_dim3A_1 {strides = array<i32>} : memref<8x144xf32, #tpu.memory_space<vmem>>, vector<16xf32>,
    %swap3A_49 = arith.constant 1 : i32
    %swap3A_50 = arith.index_cast %swap3A_49 : i32 to index
    %swap3A_51 = arith.constant 48 : index
    %swap3A_52 = tpu.vector_load %arg18[%swap3A_50, %swap3A_51] {strides = array<i32>} : memref<8x144xf32, #tpu.memory_space<vmem>>, vector<16xf32>,
    tpu.vector_store %arg18[%swap3A_50, %swap3A_51], %broadcast_in_dim3A_1 {strides = array<i32>} : memref<8x144xf32, #tpu.memory_space<vmem>>, vector<16xf32>,
    %swap3A_53 = arith.constant 1 : i32
    %swap3A_54 = arith.index_cast %swap3A_53 : i32 to index
    %swap3A_55 = arith.constant 64 : index
    %swap3A_56 = tpu.vector_load %arg18[%swap3A_54, %swap3A_55] {strides = array<i32>} : memref<8x144xf32, #tpu.memory_space<vmem>>, vector<16xf32>,
    tpu.vector_store %arg18[%swap3A_54, %swap3A_55], %broadcast_in_dim3A_1 {strides = array<i32>} : memref<8x144xf32, #tpu.memory_space<vmem>>, vector<16xf32>,
    %swap3A_57 = arith.constant 1 : i32
    %swap3A_58 = arith.index_cast %swap3A_57 : i32 to index
    %swap3A_59 = arith.constant 80 : index
    %swap3A_60 = tpu.vector_load %arg18[%swap3A_58, %swap3A_59] {strides = array<i32>} : memref<8x144xf32, #tpu.memory_space<vmem>>, vector<16xf32>,
    tpu.vector_store %arg18[%swap3A_58, %swap3A_59], %broadcast_in_dim3A_1 {strides = array<i32>} : memref<8x144xf32, #tpu.memory_space<vmem>>, vector<16xf32>,
    %swap3A_61 = arith.constant 1 : i32
    %swap3A_62 = arith.index_cast %swap3A_61 : i32 to index
    %swap3A_63 = arith.constant 96 : index
    %swap3A_64 = tpu.vector_load %arg18[%swap3A_62, %swap3A_63] {strides = array<i32>} : memref<8x144xf32, #tpu.memory_space<vmem>>, vector<16xf32>,
    tpu.vector_store %arg18[%swap3A_62, %swap3A_63], %broadcast_in_dim3A_1 {strides = array<i32>} : memref<8x144xf32, #tpu.memory_space<vmem>>, vector<16xf32>,
    %swap3A_65 = arith.constant 1 : i32
    %swap3A_66 = arith.index_cast %swap3A_65 : i32 to index
    %swap3A_67 = arith.constant 112 : index
    %swap3A_68 = tpu.vector_load %arg18[%swap3A_66, %swap3A_67] {strides = array<i32>} : memref<8x144xf32, #tpu.memory_space<vmem>>, vector<16xf32>,
    tpu.vector_store %arg18[%swap3A_66, %swap3A_67], %broadcast_in_dim3A_1 {strides = array<i32>} : memref<8x144xf32, #tpu.memory_space<vmem>>, vector<16xf32>,
    %swap3A_69 = arith.constant 1 : i32
    %swap3A_70 = arith.index_cast %swap3A_69 : i32 to index
    %swap3A_71 = arith.constant 128 : index
    %swap3A_72 = tpu.vector_load %arg18[%swap3A_70, %swap3A_71] {strides = array<i32>} : memref<8x144xf32, #tpu.memory_space<vmem>>, vector<16xf32>,
    tpu.vector_store %arg18[%swap3A_70, %swap3A_71], %broadcast_in_dim3A_1 {strides = array<i32>} : memref<8x144xf32, #tpu.memory_space<vmem>>, vector<16xf32>,
    %swap3A_73 = arith.constant 2 : i32
    %swap3A_74 = arith.index_cast %swap3A_73 : i32 to index
    %swap3A_75 = arith.constant 0 : index
    %swap3A_76 = tpu.vector_load %arg18[%swap3A_74, %swap3A_75] {strides = array<i32>} : memref<8x144xf32, #tpu.memory_space<vmem>>, vector<16xf32>,
    tpu.vector_store %arg18[%swap3A_74, %swap3A_75], %broadcast_in_dim3A_1 {strides = array<i32>} : memref<8x144xf32, #tpu.memory_space<vmem>>, vector<16xf32>,
    %swap3A_77 = arith.constant 2 : i32
    %swap3A_78 = arith.index_cast %swap3A_77 : i32 to index
    %swap3A_79 = arith.constant 16 : index
    %swap3A_80 = tpu.vector_load %arg18[%swap3A_78, %swap3A_79] {strides = array<i32>} : memref<8x144xf32, #tpu.memory_space<vmem>>, vector<16xf32>,
    tpu.vector_store %arg18[%swap3A_78, %swap3A_79], %broadcast_in_dim3A_1 {strides = array<i32>} : memref<8x144xf32, #tpu.memory_space<vmem>>, vector<16xf32>,
    %swap3A_81 = arith.constant 2 : i32
    %swap3A_82 = arith.index_cast %swap3A_81 : i32 to index
    %swap3A_83 = arith.constant 32 : index
    %swap3A_84 = tpu.vector_load %arg18[%swap3A_82, %swap3A_83] {strides = array<i32>} : memref<8x144xf32, #tpu.memory_space<vmem>>, vector<16xf32>,
    tpu.vector_store %arg18[%swap3A_82, %swap3A_83], %broadcast_in_dim3A_1 {strides = array<i32>} : memref<8x144xf32, #tpu.memory_space<vmem>>, vector<16xf32>,
    %swap3A_85 = arith.constant 2 : i32
    %swap3A_86 = arith.index_cast %swap3A_85 : i32 to index
    %swap3A_87 = arith.constant 48 : index
    %swap3A_88 = tpu.vector_load %arg18[%swap3A_86, %swap3A_87] {strides = array<i32>} : memref<8x144xf32, #tpu.memory_space<vmem>>, vector<16xf32>,
    tpu.vector_store %arg18[%swap3A_86, %swap3A_87], %broadcast_in_dim3A_1 {strides = array<i32>} : memref<8x144xf32, #tpu.memory_space<vmem>>, vector<16xf32>,
    %swap3A_89 = arith.constant 2 : i32
    %swap3A_90 = arith.index_cast %swap3A_89 : i32 to index
    %swap3A_91 = arith.constant 64 : index
    %swap3A_92 = tpu.vector_load %arg18[%swap3A_90, %swap3A_91] {strides = array<i32>} : memref<8x144xf32, #tpu.memory_space<vmem>>, vector<16xf32>,
    tpu.vector_store %arg18[%swap3A_90, %swap3A_91], %broadcast_in_dim3A_1 {strides = array<i32>} : memref<8x144xf32, #tpu.memory_space<vmem>>, vector<16xf32>,
    %swap3A_93 = arith.constant 2 : i32
    %swap3A_94 = arith.index_cast %swap3A_93 : i32 to index
    %swap3A_95 = arith.constant 80 : index
    %swap3A_96 = tpu.vector_load %arg18[%swap3A_94, %swap3A_95] {strides = array<i32>} : memref<8x144xf32, #tpu.memory_space<vmem>>, vector<16xf32>,
    tpu.vector_store %arg18[%swap3A_94, %swap3A_95], %broadcast_in_dim3A_1 {strides = array<i32>} : memref<8x144xf32, #tpu.memory_space<vmem>>, vector<16xf32>,
    %swap3A_97 = arith.constant 2 : i32
    %swap3A_98 = arith.index_cast %swap3A_97 : i32 to index
    %swap3A_99 = arith.constant 96 : index
    %swap3A_100 = tpu.vector_load %arg18[%swap3A_98, %swap3A_99] {strides = array<i32>} : memref<8x144xf32, #tpu.memory_space<vmem>>, vector<16xf32>,
    tpu.vector_store %arg18[%swap3A_98, %swap3A_99], %broadcast_in_dim3A_1 {strides = array<i32>} : memref<8x144xf32, #tpu.memory_space<vmem>>, vector<16xf32>,
    %swap3A_101 = arith.constant 2 : i32
    %swap3A_102 = arith.index_cast %swap3A_101 : i32 to index
    %swap3A_103 = arith.constant 112 : index
    %swap3A_104 = tpu.vector_load %arg18[%swap3A_102, %swap3A_103] {strides = array<i32>} : memref<8x144xf32, #tpu.memory_space<vmem>>, vector<16xf32>,
    tpu.vector_store %arg18[%swap3A_102, %swap3A_103], %broadcast_in_dim3A_1 {strides = array<i32>} : memref<8x144xf32, #tpu.memory_space<vmem>>, vector<16xf32>,
    %swap3A_105 = arith.constant 2 : i32
    %swap3A_106 = arith.index_cast %swap3A_105 : i32 to index
    %swap3A_107 = arith.constant 128 : index
    %swap3A_108 = tpu.vector_load %arg18[%swap3A_106, %swap3A_107] {strides = array<i32>} : memref<8x144xf32, #tpu.memory_space<vmem>>, vector<16xf32>,
    tpu.vector_store %arg18[%swap3A_106, %swap3A_107], %broadcast_in_dim3A_1 {strides = array<i32>} : memref<8x144xf32, #tpu.memory_space<vmem>>, vector<16xf32>,
    %swap3A_109 = arith.constant 3 : i32
    %swap3A_110 = arith.index_cast %swap3A_109 : i32 to index
    %swap3A_111 = arith.constant 0 : index
    %swap3A_112 = tpu.vector_load %arg18[%swap3A_110, %swap3A_111] {strides = array<i32>} : memref<8x144xf32, #tpu.memory_space<vmem>>, vector<16xf32>,
    tpu.vector_store %arg18[%swap3A_110, %swap3A_111], %broadcast_in_dim3A_1 {strides = array<i32>} : memref<8x144xf32, #tpu.memory_space<vmem>>, vector<16xf32>,
    %swap3A_113 = arith.constant 3 : i32
    %swap3A_114 = arith.index_cast %swap3A_113 : i32 to index
    %swap3A_115 = arith.constant 16 : index
    %swap3A_116 = tpu.vector_load %arg18[%swap3A_114, %swap3A_115] {strides = array<i32>} : memref<8x144xf32, #tpu.memory_space<vmem>>, vector<16xf32>,
    tpu.vector_store %arg18[%swap3A_114, %swap3A_115], %broadcast_in_dim3A_1 {strides = array<i32>} : memref<8x144xf32, #tpu.memory_space<vmem>>, vector<16xf32>,
    %swap3A_117 = arith.constant 3 : i32
    %swap3A_118 = arith.index_cast %swap3A_117 : i32 to index
    %swap3A_119 = arith.constant 32 : index
    %swap3A_120 = tpu.vector_load %arg18[%swap3A_118, %swap3A_119] {strides = array<i32>} : memref<8x144xf32, #tpu.memory_space<vmem>>, vector<16xf32>,
    tpu.vector_store %arg18[%swap3A_118, %swap3A_119], %broadcast_in_dim3A_1 {strides = array<i32>} : memref<8x144xf32, #tpu.memory_space<vmem>>, vector<16xf32>,
    %swap3A_121 = arith.constant 3 : i32
    %swap3A_122 = arith.index_cast %swap3A_121 : i32 to index
    %swap3A_123 = arith.constant 48 : index
    %swap3A_124 = tpu.vector_load %arg18[%swap3A_122, %swap3A_123] {strides = array<i32>} : memref<8x144xf32, #tpu.memory_space<vmem>>, vector<16xf32>,
    tpu.vector_store %arg18[%swap3A_122, %swap3A_123], %broadcast_in_dim3A_1 {strides = array<i32>} : memref<8x144xf32, #tpu.memory_space<vmem>>, vector<16xf32>,
    %swap3A_125 = arith.constant 3 : i32
    %swap3A_126 = arith.index_cast %swap3A_125 : i32 to index
    %swap3A_127 = arith.constant 64 : index
    %swap3A_128 = tpu.vector_load %arg18[%swap3A_126, %swap3A_127] {strides = array<i32>} : memref<8x144xf32, #tpu.memory_space<vmem>>, vector<16xf32>,
    tpu.vector_store %arg18[%swap3A_126, %swap3A_127], %broadcast_in_dim3A_1 {strides = array<i32>} : memref<8x144xf32, #tpu.memory_space<vmem>>, vector<16xf32>,
    %swap3A_129 = arith.constant 3 : i32
    %swap3A_130 = arith.index_cast %swap3A_129 : i32 to index
    %swap3A_131 = arith.constant 80 : index
    %swap3A_132 = tpu.vector_load %arg18[%swap3A_130, %swap3A_131] {strides = array<i32>} : memref<8x144xf32, #tpu.memory_space<vmem>>, vector<16xf32>,
    tpu.vector_store %arg18[%swap3A_130, %swap3A_131], %broadcast_in_dim3A_1 {strides = array<i32>} : memref<8x144xf32, #tpu.memory_space<vmem>>, vector<16xf32>,
    %swap3A_133 = arith.constant 3 : i32
    %swap3A_134 = arith.index_cast %swap3A_133 : i32 to index
    %swap3A_135 = arith.constant 96 : index
    %swap3A_136 = tpu.vector_load %arg18[%swap3A_134, %swap3A_135] {strides = array<i32>} : memref<8x144xf32, #tpu.memory_space<vmem>>, vector<16xf32>,
    tpu.vector_store %arg18[%swap3A_134, %swap3A_135], %broadcast_in_dim3A_1 {strides = array<i32>} : memref<8x144xf32, #tpu.memory_space<vmem>>, vector<16xf32>,
    %swap3A_137 = arith.constant 3 : i32
    %swap3A_138 = arith.index_cast %swap3A_137 : i32 to index
    %swap3A_139 = arith.constant 112 : index
    %swap3A_140 = tpu.vector_load %arg18[%swap3A_138, %swap3A_139] {strides = array<i32>} : memref<8x144xf32, #tpu.memory_space<vmem>>, vector<16xf32>,
    tpu.vector_store %arg18[%swap3A_138, %swap3A_139], %broadcast_in_dim3A_1 {strides = array<i32>} : memref<8x144xf32, #tpu.memory_space<vmem>>, vector<16xf32>,
    %swap3A_141 = arith.constant 3 : i32
    %swap3A_142 = arith.index_cast %swap3A_141 : i32 to index
    %swap3A_143 = arith.constant 128 : index
    %swap3A_144 = tpu.vector_load %arg18[%swap3A_142, %swap3A_143] {strides = array<i32>} : memref<8x144xf32, #tpu.memory_space<vmem>>, vector<16xf32>,
    tpu.vector_store %arg18[%swap3A_142, %swap3A_143], %broadcast_in_dim3A_1 {strides = array<i32>} : memref<8x144xf32, #tpu.memory_space<vmem>>, vector<16xf32>,
    %swap3A_145 = arith.constant 4 : i32
    %swap3A_146 = arith.index_cast %swap3A_145 : i32 to index
    %swap3A_147 = arith.constant 0 : index
    %swap3A_148 = tpu.vector_load %arg18[%swap3A_146, %swap3A_147] {strides = array<i32>} : memref<8x144xf32, #tpu.memory_space<vmem>>, vector<16xf32>,
    tpu.vector_store %arg18[%swap3A_146, %swap3A_147], %broadcast_in_dim3A_1 {strides = array<i32>} : memref<8x144xf32, #tpu.memory_space<vmem>>, vector<16xf32>,
    %swap3A_149 = arith.constant 4 : i32
    %swap3A_150 = arith.index_cast %swap3A_149 : i32 to index
    %swap3A_151 = arith.constant 16 : index
    %swap3A_152 = tpu.vector_load %arg18[%swap3A_150, %swap3A_151] {strides = array<i32>} : memref<8x144xf32, #tpu.memory_space<vmem>>, vector<16xf32>,
    tpu.vector_store %arg18[%swap3A_150, %swap3A_151], %broadcast_in_dim3A_1 {strides = array<i32>} : memref<8x144xf32, #tpu.memory_space<vmem>>, vector<16xf32>,
    %swap3A_153 = arith.constant 4 : i32
    %swap3A_154 = arith.index_cast %swap3A_153 : i32 to index
    %swap3A_155 = arith.constant 32 : index
    %swap3A_156 = tpu.vector_load %arg18[%swap3A_154, %swap3A_155] {strides = array<i32>} : memref<8x144xf32, #tpu.memory_space<vmem>>, vector<16xf32>,
    tpu.vector_store %arg18[%swap3A_154, %swap3A_155], %broadcast_in_dim3A_1 {strides = array<i32>} : memref<8x144xf32, #tpu.memory_space<vmem>>, vector<16xf32>,
    %swap3A_157 = arith.constant 4 : i32
    %swap3A_158 = arith.index_cast %swap3A_157 : i32 to index
    %swap3A_159 = arith.constant 48 : index
    %swap3A_160 = tpu.vector_load %arg18[%swap3A_158, %swap3A_159] {strides = array<i32>} : memref<8x144xf32, #tpu.memory_space<vmem>>, vector<16xf32>,
    tpu.vector_store %arg18[%swap3A_158, %swap3A_159], %broadcast_in_dim3A_1 {strides = array<i32>} : memref<8x144xf32, #tpu.memory_space<vmem>>, vector<16xf32>,
    %swap3A_161 = arith.constant 4 : i32
    %swap3A_162 = arith.index_cast %swap3A_161 : i32 to index
    %swap3A_163 = arith.constant 64 : index
    %swap3A_164 = tpu.vector_load %arg18[%swap3A_162, %swap3A_163] {strides = array<i32>} : memref<8x144xf32, #tpu.memory_space<vmem>>, vector<16xf32>,
    tpu.vector_store %arg18[%swap3A_162, %swap3A_163], %broadcast_in_dim3A_1 {strides = array<i32>} : memref<8x144xf32, #tpu.memory_space<vmem>>, vector<16xf32>,
    %swap3A_165 = arith.constant 4 : i32
    %swap3A_166 = arith.index_cast %swap3A_165 : i32 to index
    %swap3A_167 = arith.constant 80 : index
    %swap3A_168 = tpu.vector_load %arg18[%swap3A_166, %swap3A_167] {strides = array<i32>} : memref<8x144xf32, #tpu.memory_space<vmem>>, vector<16xf32>,
    tpu.vector_store %arg18[%swap3A_166, %swap3A_167], %broadcast_in_dim3A_1 {strides = array<i32>} : memref<8x144xf32, #tpu.memory_space<vmem>>, vector<16xf32>,
    %swap3A_169 = arith.constant 4 : i32
    %swap3A_170 = arith.index_cast %swap3A_169 : i32 to index
    %swap3A_171 = arith.constant 96 : index
    %swap3A_172 = tpu.vector_load %arg18[%swap3A_170, %swap3A_171] {strides = array<i32>} : memref<8x144xf32, #tpu.memory_space<vmem>>, vector<16xf32>,
    tpu.vector_store %arg18[%swap3A_170, %swap3A_171], %broadcast_in_dim3A_1 {strides = array<i32>} : memref<8x144xf32, #tpu.memory_space<vmem>>, vector<16xf32>,
    %swap3A_173 = arith.constant 4 : i32
    %swap3A_174 = arith.index_cast %swap3A_173 : i32 to index
    %swap3A_175 = arith.constant 112 : index
    %swap3A_176 = tpu.vector_load %arg18[%swap3A_174, %swap3A_175] {strides = array<i32>} : memref<8x144xf32, #tpu.memory_space<vmem>>, vector<16xf32>,
    tpu.vector_store %arg18[%swap3A_174, %swap3A_175], %broadcast_in_dim3A_1 {strides = array<i32>} : memref<8x144xf32, #tpu.memory_space<vmem>>, vector<16xf32>,
    %swap3A_177 = arith.constant 4 : i32
    %swap3A_178 = arith.index_cast %swap3A_177 : i32 to index
    %swap3A_179 = arith.constant 128 : index
    %swap3A_180 = tpu.vector_load %arg18[%swap3A_178, %swap3A_179] {strides = array<i32>} : memref<8x144xf32, #tpu.memory_space<vmem>>, vector<16xf32>,
    tpu.vector_store %arg18[%swap3A_178, %swap3A_179], %broadcast_in_dim3A_1 {strides = array<i32>} : memref<8x144xf32, #tpu.memory_space<vmem>>, vector<16xf32>,
    %swap3A_181 = arith.constant 5 : i32
    %swap3A_182 = arith.index_cast %swap3A_181 : i32 to index
    %swap3A_183 = arith.constant 0 : index
    %swap3A_184 = tpu.vector_load %arg18[%swap3A_182, %swap3A_183] {strides = array<i32>} : memref<8x144xf32, #tpu.memory_space<vmem>>, vector<16xf32>,
    tpu.vector_store %arg18[%swap3A_182, %swap3A_183], %broadcast_in_dim3A_1 {strides = array<i32>} : memref<8x144xf32, #tpu.memory_space<vmem>>, vector<16xf32>,
    %swap3A_185 = arith.constant 5 : i32
    %swap3A_186 = arith.index_cast %swap3A_185 : i32 to index
    %swap3A_187 = arith.constant 16 : index
    %swap3A_188 = tpu.vector_load %arg18[%swap3A_186, %swap3A_187] {strides = array<i32>} : memref<8x144xf32, #tpu.memory_space<vmem>>, vector<16xf32>,
    tpu.vector_store %arg18[%swap3A_186, %swap3A_187], %broadcast_in_dim3A_1 {strides = array<i32>} : memref<8x144xf32, #tpu.memory_space<vmem>>, vector<16xf32>,
    %swap3A_189 = arith.constant 5 : i32
    %swap3A_190 = arith.index_cast %swap3A_189 : i32 to index
    %swap3A_191 = arith.constant 32 : index
    %swap3A_192 = tpu.vector_load %arg18[%swap3A_190, %swap3A_191] {strides = array<i32>} : memref<8x144xf32, #tpu.memory_space<vmem>>, vector<16xf32>,
    tpu.vector_store %arg18[%swap3A_190, %swap3A_191], %broadcast_in_dim3A_1 {strides = array<i32>} : memref<8x144xf32, #tpu.memory_space<vmem>>, vector<16xf32>,
    %swap3A_193 = arith.constant 5 : i32
    %swap3A_194 = arith.index_cast %swap3A_193 : i32 to index
    %swap3A_195 = arith.constant 48 : index
    %swap3A_196 = tpu.vector_load %arg18[%swap3A_194, %swap3A_195] {strides = array<i32>} : memref<8x144xf32, #tpu.memory_space<vmem>>, vector<16xf32>,
    tpu.vector_store %arg18[%swap3A_194, %swap3A_195], %broadcast_in_dim3A_1 {strides = array<i32>} : memref<8x144xf32, #tpu.memory_space<vmem>>, vector<16xf32>,
    %swap3A_197 = arith.constant 5 : i32
    %swap3A_198 = arith.index_cast %swap3A_197 : i32 to index
    %swap3A_199 = arith.constant 64 : index
    %swap3A_200 = tpu.vector_load %arg18[%swap3A_198, %swap3A_199] {strides = array<i32>} : memref<8x144xf32, #tpu.memory_space<vmem>>, vector<16xf32>,
    tpu.vector_store %arg18[%swap3A_198, %swap3A_199], %broadcast_in_dim3A_1 {strides = array<i32>} : memref<8x144xf32, #tpu.memory_space<vmem>>, vector<16xf32>,
    %swap3A_201 = arith.constant 5 : i32
    %swap3A_202 = arith.index_cast %swap3A_201 : i32 to index
    %swap3A_203 = arith.constant 80 : index
    %swap3A_204 = tpu.vector_load %arg18[%swap3A_202, %swap3A_203] {strides = array<i32>} : memref<8x144xf32, #tpu.memory_space<vmem>>, vector<16xf32>,
    tpu.vector_store %arg18[%swap3A_202, %swap3A_203], %broadcast_in_dim3A_1 {strides = array<i32>} : memref<8x144xf32, #tpu.memory_space<vmem>>, vector<16xf32>,
    %swap3A_205 = arith.constant 5 : i32
    %swap3A_206 = arith.index_cast %swap3A_205 : i32 to index
    %swap3A_207 = arith.constant 96 : index
    %swap3A_208 = tpu.vector_load %arg18[%swap3A_206, %swap3A_207] {strides = array<i32>} : memref<8x144xf32, #tpu.memory_space<vmem>>, vector<16xf32>,
    tpu.vector_store %arg18[%swap3A_206, %swap3A_207], %broadcast_in_dim3A_1 {strides = array<i32>} : memref<8x144xf32, #tpu.memory_space<vmem>>, vector<16xf32>,
    %swap3A_209 = arith.constant 5 : i32
    %swap3A_210 = arith.index_cast %swap3A_209 : i32 to index
    %swap3A_211 = arith.constant 112 : index
    %swap3A_212 = tpu.vector_load %arg18[%swap3A_210, %swap3A_211] {strides = array<i32>} : memref<8x144xf32, #tpu.memory_space<vmem>>, vector<16xf32>,
    tpu.vector_store %arg18[%swap3A_210, %swap3A_211], %broadcast_in_dim3A_1 {strides = array<i32>} : memref<8x144xf32, #tpu.memory_space<vmem>>, vector<16xf32>,
    %swap3A_213 = arith.constant 5 : i32
    %swap3A_214 = arith.index_cast %swap3A_213 : i32 to index
    %swap3A_215 = arith.constant 128 : index
    %swap3A_216 = tpu.vector_load %arg18[%swap3A_214, %swap3A_215] {strides = array<i32>} : memref<8x144xf32, #tpu.memory_space<vmem>>, vector<16xf32>,
    tpu.vector_store %arg18[%swap3A_214, %swap3A_215], %broadcast_in_dim3A_1 {strides = array<i32>} : memref<8x144xf32, #tpu.memory_space<vmem>>, vector<16xf32>,
    %swap3A_217 = arith.constant 6 : i32
    %swap3A_218 = arith.index_cast %swap3A_217 : i32 to index
    %swap3A_219 = arith.constant 0 : index
    %swap3A_220 = tpu.vector_load %arg18[%swap3A_218, %swap3A_219] {strides = array<i32>} : memref<8x144xf32, #tpu.memory_space<vmem>>, vector<16xf32>,
    tpu.vector_store %arg18[%swap3A_218, %swap3A_219], %broadcast_in_dim3A_1 {strides = array<i32>} : memref<8x144xf32, #tpu.memory_space<vmem>>, vector<16xf32>,
    %swap3A_221 = arith.constant 6 : i32
    %swap3A_222 = arith.index_cast %swap3A_221 : i32 to index
    %swap3A_223 = arith.constant 16 : index
    %swap3A_224 = tpu.vector_load %arg18[%swap3A_222, %swap3A_223] {strides = array<i32>} : memref<8x144xf32, #tpu.memory_space<vmem>>, vector<16xf32>,
    tpu.vector_store %arg18[%swap3A_222, %swap3A_223], %broadcast_in_dim3A_1 {strides = array<i32>} : memref<8x144xf32, #tpu.memory_space<vmem>>, vector<16xf32>,
    %swap3A_225 = arith.constant 6 : i32
    %swap3A_226 = arith.index_cast %swap3A_225 : i32 to index
    %swap3A_227 = arith.constant 32 : index
    %swap3A_228 = tpu.vector_load %arg18[%swap3A_226, %swap3A_227] {strides = array<i32>} : memref<8x144xf32, #tpu.memory_space<vmem>>, vector<16xf32>,
    tpu.vector_store %arg18[%swap3A_226, %swap3A_227], %broadcast_in_dim3A_1 {strides = array<i32>} : memref<8x144xf32, #tpu.memory_space<vmem>>, vector<16xf32>,
    %swap3A_229 = arith.constant 6 : i32
    %swap3A_230 = arith.index_cast %swap3A_229 : i32 to index
    %swap3A_231 = arith.constant 48 : index
    %swap3A_232 = tpu.vector_load %arg18[%swap3A_230, %swap3A_231] {strides = array<i32>} : memref<8x144xf32, #tpu.memory_space<vmem>>, vector<16xf32>,
    tpu.vector_store %arg18[%swap3A_230, %swap3A_231], %broadcast_in_dim3A_1 {strides = array<i32>} : memref<8x144xf32, #tpu.memory_space<vmem>>, vector<16xf32>,
    %swap3A_233 = arith.constant 6 : i32
    %swap3A_234 = arith.index_cast %swap3A_233 : i32 to index
    %swap3A_235 = arith.constant 64 : index
    %swap3A_236 = tpu.vector_load %arg18[%swap3A_234, %swap3A_235] {strides = array<i32>} : memref<8x144xf32, #tpu.memory_space<vmem>>, vector<16xf32>,
    tpu.vector_store %arg18[%swap3A_234, %swap3A_235], %broadcast_in_dim3A_1 {strides = array<i32>} : memref<8x144xf32, #tpu.memory_space<vmem>>, vector<16xf32>,
    %swap3A_237 = arith.constant 6 : i32
    %swap3A_238 = arith.index_cast %swap3A_237 : i32 to index
    %swap3A_239 = arith.constant 80 : index
    %swap3A_240 = tpu.vector_load %arg18[%swap3A_238, %swap3A_239] {strides = array<i32>} : memref<8x144xf32, #tpu.memory_space<vmem>>, vector<16xf32>,
    tpu.vector_store %arg18[%swap3A_238, %swap3A_239], %broadcast_in_dim3A_1 {strides = array<i32>} : memref<8x144xf32, #tpu.memory_space<vmem>>, vector<16xf32>,
    %swap3A_241 = arith.constant 6 : i32
    %swap3A_242 = arith.index_cast %swap3A_241 : i32 to index
    %swap3A_243 = arith.constant 96 : index
    %swap3A_244 = tpu.vector_load %arg18[%swap3A_242, %swap3A_243] {strides = array<i32>} : memref<8x144xf32, #tpu.memory_space<vmem>>, vector<16xf32>,
    tpu.vector_store %arg18[%swap3A_242, %swap3A_243], %broadcast_in_dim3A_1 {strides = array<i32>} : memref<8x144xf32, #tpu.memory_space<vmem>>, vector<16xf32>,
    %swap3A_245 = arith.constant 6 : i32
    %swap3A_246 = arith.index_cast %swap3A_245 : i32 to index
    %swap3A_247 = arith.constant 112 : index
    %swap3A_248 = tpu.vector_load %arg18[%swap3A_246, %swap3A_247] {strides = array<i32>} : memref<8x144xf32, #tpu.memory_space<vmem>>, vector<16xf32>,
    tpu.vector_store %arg18[%swap3A_246, %swap3A_247], %broadcast_in_dim3A_1 {strides = array<i32>} : memref<8x144xf32, #tpu.memory_space<vmem>>, vector<16xf32>,
    %swap3A_249 = arith.constant 6 : i32
    %swap3A_250 = arith.index_cast %swap3A_249 : i32 to index
    %swap3A_251 = arith.constant 128 : index
    %swap3A_252 = tpu.vector_load %arg18[%swap3A_250, %swap3A_251] {strides = array<i32>} : memref<8x144xf32, #tpu.memory_space<vmem>>, vector<16xf32>,
    tpu.vector_store %arg18[%swap3A_250, %swap3A_251], %broadcast_in_dim3A_1 {strides = array<i32>} : memref<8x144xf32, #tpu.memory_space<vmem>>, vector<16xf32>,
    %swap3A_253 = arith.constant 7 : i32
    %swap3A_254 = arith.index_cast %swap3A_253 : i32 to index
    %swap3A_255 = arith.constant 0 : index
    %swap3A_256 = tpu.vector_load %arg18[%swap3A_254, %swap3A_255] {strides = array<i32>} : memref<8x144xf32, #tpu.memory_space<vmem>>, vector<16xf32>,
    tpu.vector_store %arg18[%swap3A_254, %swap3A_255], %broadcast_in_dim3A_1 {strides = array<i32>} : memref<8x144xf32, #tpu.memory_space<vmem>>, vector<16xf32>,
    %swap3A_257 = arith.constant 7 : i32
    %swap3A_258 = arith.index_cast %swap3A_257 : i32 to index
    %swap3A_259 = arith.constant 16 : index
    %swap3A_260 = tpu.vector_load %arg18[%swap3A_258, %swap3A_259] {strides = array<i32>} : memref<8x144xf32, #tpu.memory_space<vmem>>, vector<16xf32>,
    tpu.vector_store %arg18[%swap3A_258, %swap3A_259], %broadcast_in_dim3A_1 {strides = array<i32>} : memref<8x144xf32, #tpu.memory_space<vmem>>, vector<16xf32>,
    %swap3A_261 = arith.constant 7 : i32
    %swap3A_262 = arith.index_cast %swap3A_261 : i32 to index
    %swap3A_263 = arith.constant 32 : index
    %swap3A_264 = tpu.vector_load %arg18[%swap3A_262, %swap3A_263] {strides = array<i32>} : memref<8x144xf32, #tpu.memory_space<vmem>>, vector<16xf32>,
    tpu.vector_store %arg18[%swap3A_262, %swap3A_263], %broadcast_in_dim3A_1 {strides = array<i32>} : memref<8x144xf32, #tpu.memory_space<vmem>>, vector<16xf32>,
    %swap3A_265 = arith.constant 7 : i32
    %swap3A_266 = arith.index_cast %swap3A_265 : i32 to index
    %swap3A_267 = arith.constant 48 : index
    %swap3A_268 = tpu.vector_load %arg18[%swap3A_266, %swap3A_267] {strides = array<i32>} : memref<8x144xf32, #tpu.memory_space<vmem>>, vector<16xf32>,
    tpu.vector_store %arg18[%swap3A_266, %swap3A_267], %broadcast_in_dim3A_1 {strides = array<i32>} : memref<8x144xf32, #tpu.memory_space<vmem>>, vector<16xf32>,
    %swap3A_269 = arith.constant 7 : i32
    %swap3A_270 = arith.index_cast %swap3A_269 : i32 to index
    %swap3A_271 = arith.constant 64 : index
    %swap3A_272 = tpu.vector_load %arg18[%swap3A_270, %swap3A_271] {strides = array<i32>} : memref<8x144xf32, #tpu.memory_space<vmem>>, vector<16xf32>,
    tpu.vector_store %arg18[%swap3A_270, %swap3A_271], %broadcast_in_dim3A_1 {strides = array<i32>} : memref<8x144xf32, #tpu.memory_space<vmem>>, vector<16xf32>,
    %swap3A_273 = arith.constant 7 : i32
    %swap3A_274 = arith.index_cast %swap3A_273 : i32 to index
    %swap3A_275 = arith.constant 80 : index
    %swap3A_276 = tpu.vector_load %arg18[%swap3A_274, %swap3A_275] {strides = array<i32>} : memref<8x144xf32, #tpu.memory_space<vmem>>, vector<16xf32>,
    tpu.vector_store %arg18[%swap3A_274, %swap3A_275], %broadcast_in_dim3A_1 {strides = array<i32>} : memref<8x144xf32, #tpu.memory_space<vmem>>, vector<16xf32>,
    %swap3A_277 = arith.constant 7 : i32
    %swap3A_278 = arith.index_cast %swap3A_277 : i32 to index
    %swap3A_279 = arith.constant 96 : index
    %swap3A_280 = tpu.vector_load %arg18[%swap3A_278, %swap3A_279] {strides = array<i32>} : memref<8x144xf32, #tpu.memory_space<vmem>>, vector<16xf32>,
    tpu.vector_store %arg18[%swap3A_278, %swap3A_279], %broadcast_in_dim3A_1 {strides = array<i32>} : memref<8x144xf32, #tpu.memory_space<vmem>>, vector<16xf32>,
    %swap3A_281 = arith.constant 7 : i32
    %swap3A_282 = arith.index_cast %swap3A_281 : i32 to index
    %swap3A_283 = arith.constant 112 : index
    %swap3A_284 = tpu.vector_load %arg18[%swap3A_282, %swap3A_283] {strides = array<i32>} : memref<8x144xf32, #tpu.memory_space<vmem>>, vector<16xf32>,
    tpu.vector_store %arg18[%swap3A_282, %swap3A_283], %broadcast_in_dim3A_1 {strides = array<i32>} : memref<8x144xf32, #tpu.memory_space<vmem>>, vector<16xf32>,
    %swap3A_285 = arith.constant 7 : i32
    %swap3A_286 = arith.index_cast %swap3A_285 : i32 to index
    %swap3A_287 = arith.constant 128 : index
    %swap3A_288 = tpu.vector_load %arg18[%swap3A_286, %swap3A_287] {strides = array<i32>} : memref<8x144xf32, #tpu.memory_space<vmem>>, vector<16xf32>,
    tpu.vector_store %arg18[%swap3A_286, %swap3A_287], %broadcast_in_dim3A_1 {strides = array<i32>} : memref<8x144xf32, #tpu.memory_space<vmem>>, vector<16xf32>,
    %scan3A = arith.constant 0 : i32
    %scan3A_289 = arith.constant 0 : i32
    %scan3A_290 = arith.constant 80 : i32
    %scan3A_291 = arith.addi %scan3A_289, %scan3A_290 : i32
    %scan3A_292 = arith.constant 1 : i32
    scf.for %scan3A_440 = %scan3A_289 to %scan3A_291 step %scan3A_292  : i32 {
      %mul3A_441 = arith.constant 640 : i32
      %mul3A_442 = arith.muli %arg1, %mul3A_441 : i32
      %mul3A_443 = arith.constant 8 : i32
      %mul3A_444 = arith.muli %scan3A_440, %mul3A_443 : i32
      %add3A_445 = arith.addi %mul3A_442, %mul3A_444 : i32
      "tpu.region"() ({
        %run_scoped3A = tpu.sem_alloc : memref<!tpu.dma_semaphore, #tpu.memory_space<semaphore_mem>>
        %dma_start3A_446 = arith.constant 0 : i32
        %dma_start3A_447 = tpu.memref_slice %arg19[%add3A_445, %dma_start3A_446] : memref<10240x144xf32, #tpu.memory_space<vmem_shared>> -> memref<8x144xf32, #tpu.memory_space<vmem_shared>>
        %dma_start3A_448 = arith.constant 0 : i32
        %dma_start3A_449 = tpu.memref_slice %arg19[%add3A_445, %dma_start3A_448] : memref<10240x144xf32, #tpu.memory_space<vmem_shared>> -> memref<8x144xf32, #tpu.memory_space<vmem_shared>>
        tpu.enqueue_dma source(%arg18 : memref<8x144xf32, #tpu.memory_space<vmem>>) target(%dma_start3A_449 : memref<8x144xf32, #tpu.memory_space<vmem_shared>>) target_semaphore(%run_scoped3A : memref<!tpu.dma_semaphore, #tpu.memory_space<semaphore_mem>>)
        %dma_wait3A = arith.constant 0 : i32
        %dma_wait3A_450 = tpu.memref_slice %arg19[%add3A_445, %dma_wait3A] : memref<10240x144xf32, #tpu.memory_space<vmem_shared>> -> memref<8x144xf32, #tpu.memory_space<vmem_shared>>
        %dma_wait3A_451 = arith.constant 0 : i32
        %dma_wait3A_452 = tpu.memref_slice %arg19[%add3A_445, %dma_wait3A_451] : memref<10240x144xf32, #tpu.memory_space<vmem_shared>> -> memref<8x144xf32, #tpu.memory_space<vmem_shared>>
        tpu.wait_dma2 semaphore(%run_scoped3A : memref<!tpu.dma_semaphore, #tpu.memory_space<semaphore_mem>>) src(%arg18 : memref<8x144xf32, #tpu.memory_space<vmem>>) dst(%dma_wait3A_452 : memref<8x144xf32, #tpu.memory_space<vmem_shared>>)
        tpu.yield
      }) : () -> ()
    }
    %scan3A_293 = arith.constant 80 : i32
    %swap3A_294 = arith.constant 0 : i32
    %swap3A_295 = arith.index_cast %swap3A_294 : i32 to index
    %swap3A_296 = arith.constant 128 : index
    %swap3A_297 = tpu.vector_load %arg17[%swap3A_295, %swap3A_296] {strides = array<i32>} : memref<32x144xf32, #tpu.memory_space<vmem>>, vector<16xf32>,
    tpu.vector_store %arg17[%swap3A_295, %swap3A_296], %broadcast_in_dim3A_1 {strides = array<i32>} : memref<32x144xf32, #tpu.memory_space<vmem>>, vector<16xf32>,
    %swap3A_298 = arith.constant 1 : i32
    %swap3A_299 = arith.index_cast %swap3A_298 : i32 to index
    %swap3A_300 = arith.constant 128 : index
    %swap3A_301 = tpu.vector_load %arg17[%swap3A_299, %swap3A_300] {strides = array<i32>} : memref<32x144xf32, #tpu.memory_space<vmem>>, vector<16xf32>,
    tpu.vector_store %arg17[%swap3A_299, %swap3A_300], %broadcast_in_dim3A_1 {strides = array<i32>} : memref<32x144xf32, #tpu.memory_space<vmem>>, vector<16xf32>,
    %swap3A_302 = arith.constant 2 : i32
    %swap3A_303 = arith.index_cast %swap3A_302 : i32 to index
    %swap3A_304 = arith.constant 128 : index
    %swap3A_305 = tpu.vector_load %arg17[%swap3A_303, %swap3A_304] {strides = array<i32>} : memref<32x144xf32, #tpu.memory_space<vmem>>, vector<16xf32>,
    tpu.vector_store %arg17[%swap3A_303, %swap3A_304], %broadcast_in_dim3A_1 {strides = array<i32>} : memref<32x144xf32, #tpu.memory_space<vmem>>, vector<16xf32>,
    %swap3A_306 = arith.constant 3 : i32
    %swap3A_307 = arith.index_cast %swap3A_306 : i32 to index
    %swap3A_308 = arith.constant 128 : index
    %swap3A_309 = tpu.vector_load %arg17[%swap3A_307, %swap3A_308] {strides = array<i32>} : memref<32x144xf32, #tpu.memory_space<vmem>>, vector<16xf32>,
    tpu.vector_store %arg17[%swap3A_307, %swap3A_308], %broadcast_in_dim3A_1 {strides = array<i32>} : memref<32x144xf32, #tpu.memory_space<vmem>>, vector<16xf32>,
    %swap3A_310 = arith.constant 4 : i32
    %swap3A_311 = arith.index_cast %swap3A_310 : i32 to index
    %swap3A_312 = arith.constant 128 : index
    %swap3A_313 = tpu.vector_load %arg17[%swap3A_311, %swap3A_312] {strides = array<i32>} : memref<32x144xf32, #tpu.memory_space<vmem>>, vector<16xf32>,
    tpu.vector_store %arg17[%swap3A_311, %swap3A_312], %broadcast_in_dim3A_1 {strides = array<i32>} : memref<32x144xf32, #tpu.memory_space<vmem>>, vector<16xf32>,
    %swap3A_314 = arith.constant 5 : i32
    %swap3A_315 = arith.index_cast %swap3A_314 : i32 to index
    %swap3A_316 = arith.constant 128 : index
    %swap3A_317 = tpu.vector_load %arg17[%swap3A_315, %swap3A_316] {strides = array<i32>} : memref<32x144xf32, #tpu.memory_space<vmem>>, vector<16xf32>,
    tpu.vector_store %arg17[%swap3A_315, %swap3A_316], %broadcast_in_dim3A_1 {strides = array<i32>} : memref<32x144xf32, #tpu.memory_space<vmem>>, vector<16xf32>,
    %swap3A_318 = arith.constant 6 : i32
    %swap3A_319 = arith.index_cast %swap3A_318 : i32 to index
    %swap3A_320 = arith.constant 128 : index
    %swap3A_321 = tpu.vector_load %arg17[%swap3A_319, %swap3A_320] {strides = array<i32>} : memref<32x144xf32, #tpu.memory_space<vmem>>, vector<16xf32>,
    tpu.vector_store %arg17[%swap3A_319, %swap3A_320], %broadcast_in_dim3A_1 {strides = array<i32>} : memref<32x144xf32, #tpu.memory_space<vmem>>, vector<16xf32>,
    %swap3A_322 = arith.constant 7 : i32
    %swap3A_323 = arith.index_cast %swap3A_322 : i32 to index
    %swap3A_324 = arith.constant 128 : index
    %swap3A_325 = tpu.vector_load %arg17[%swap3A_323, %swap3A_324] {strides = array<i32>} : memref<32x144xf32, #tpu.memory_space<vmem>>, vector<16xf32>,
    tpu.vector_store %arg17[%swap3A_323, %swap3A_324], %broadcast_in_dim3A_1 {strides = array<i32>} : memref<32x144xf32, #tpu.memory_space<vmem>>, vector<16xf32>,
    %swap3A_326 = arith.constant 8 : i32
    %swap3A_327 = arith.index_cast %swap3A_326 : i32 to index
    %swap3A_328 = arith.constant 128 : index
    %swap3A_329 = tpu.vector_load %arg17[%swap3A_327, %swap3A_328] {strides = array<i32>} : memref<32x144xf32, #tpu.memory_space<vmem>>, vector<16xf32>,
    tpu.vector_store %arg17[%swap3A_327, %swap3A_328], %broadcast_in_dim3A_1 {strides = array<i32>} : memref<32x144xf32, #tpu.memory_space<vmem>>, vector<16xf32>,
    %swap3A_330 = arith.constant 9 : i32
    %swap3A_331 = arith.index_cast %swap3A_330 : i32 to index
    %swap3A_332 = arith.constant 128 : index
    %swap3A_333 = tpu.vector_load %arg17[%swap3A_331, %swap3A_332] {strides = array<i32>} : memref<32x144xf32, #tpu.memory_space<vmem>>, vector<16xf32>,
    tpu.vector_store %arg17[%swap3A_331, %swap3A_332], %broadcast_in_dim3A_1 {strides = array<i32>} : memref<32x144xf32, #tpu.memory_space<vmem>>, vector<16xf32>,
    %swap3A_334 = arith.constant 10 : i32
    %swap3A_335 = arith.index_cast %swap3A_334 : i32 to index
    %swap3A_336 = arith.constant 128 : index
    %swap3A_337 = tpu.vector_load %arg17[%swap3A_335, %swap3A_336] {strides = array<i32>} : memref<32x144xf32, #tpu.memory_space<vmem>>, vector<16xf32>,
    tpu.vector_store %arg17[%swap3A_335, %swap3A_336], %broadcast_in_dim3A_1 {strides = array<i32>} : memref<32x144xf32, #tpu.memory_space<vmem>>, vector<16xf32>,
    %swap3A_338 = arith.constant 11 : i32
    %swap3A_339 = arith.index_cast %swap3A_338 : i32 to index
    %swap3A_340 = arith.constant 128 : index
    %swap3A_341 = tpu.vector_load %arg17[%swap3A_339, %swap3A_340] {strides = array<i32>} : memref<32x144xf32, #tpu.memory_space<vmem>>, vector<16xf32>,
    tpu.vector_store %arg17[%swap3A_339, %swap3A_340], %broadcast_in_dim3A_1 {strides = array<i32>} : memref<32x144xf32, #tpu.memory_space<vmem>>, vector<16xf32>,
    %swap3A_342 = arith.constant 12 : i32
    %swap3A_343 = arith.index_cast %swap3A_342 : i32 to index
    %swap3A_344 = arith.constant 128 : index
    %swap3A_345 = tpu.vector_load %arg17[%swap3A_343, %swap3A_344] {strides = array<i32>} : memref<32x144xf32, #tpu.memory_space<vmem>>, vector<16xf32>,
    tpu.vector_store %arg17[%swap3A_343, %swap3A_344], %broadcast_in_dim3A_1 {strides = array<i32>} : memref<32x144xf32, #tpu.memory_space<vmem>>, vector<16xf32>,
    %swap3A_346 = arith.constant 13 : i32
    %swap3A_347 = arith.index_cast %swap3A_346 : i32 to index
    %swap3A_348 = arith.constant 128 : index
    %swap3A_349 = tpu.vector_load %arg17[%swap3A_347, %swap3A_348] {strides = array<i32>} : memref<32x144xf32, #tpu.memory_space<vmem>>, vector<16xf32>,
    tpu.vector_store %arg17[%swap3A_347, %swap3A_348], %broadcast_in_dim3A_1 {strides = array<i32>} : memref<32x144xf32, #tpu.memory_space<vmem>>, vector<16xf32>,
    %swap3A_350 = arith.constant 14 : i32
    %swap3A_351 = arith.index_cast %swap3A_350 : i32 to index
    %swap3A_352 = arith.constant 128 : index
    %swap3A_353 = tpu.vector_load %arg17[%swap3A_351, %swap3A_352] {strides = array<i32>} : memref<32x144xf32, #tpu.memory_space<vmem>>, vector<16xf32>,
    tpu.vector_store %arg17[%swap3A_351, %swap3A_352], %broadcast_in_dim3A_1 {strides = array<i32>} : memref<32x144xf32, #tpu.memory_space<vmem>>, vector<16xf32>,
    %swap3A_354 = arith.constant 15 : i32
    %swap3A_355 = arith.index_cast %swap3A_354 : i32 to index
    %swap3A_356 = arith.constant 128 : index
    %swap3A_357 = tpu.vector_load %arg17[%swap3A_355, %swap3A_356] {strides = array<i32>} : memref<32x144xf32, #tpu.memory_space<vmem>>, vector<16xf32>,
    tpu.vector_store %arg17[%swap3A_355, %swap3A_356], %broadcast_in_dim3A_1 {strides = array<i32>} : memref<32x144xf32, #tpu.memory_space<vmem>>, vector<16xf32>,
    %swap3A_358 = arith.constant 16 : i32
    %swap3A_359 = arith.index_cast %swap3A_358 : i32 to index
    %swap3A_360 = arith.constant 128 : index
    %swap3A_361 = tpu.vector_load %arg17[%swap3A_359, %swap3A_360] {strides = array<i32>} : memref<32x144xf32, #tpu.memory_space<vmem>>, vector<16xf32>,
    tpu.vector_store %arg17[%swap3A_359, %swap3A_360], %broadcast_in_dim3A_1 {strides = array<i32>} : memref<32x144xf32, #tpu.memory_space<vmem>>, vector<16xf32>,
    %swap3A_362 = arith.constant 17 : i32
    %swap3A_363 = arith.index_cast %swap3A_362 : i32 to index
    %swap3A_364 = arith.constant 128 : index
    %swap3A_365 = tpu.vector_load %arg17[%swap3A_363, %swap3A_364] {strides = array<i32>} : memref<32x144xf32, #tpu.memory_space<vmem>>, vector<16xf32>,
    tpu.vector_store %arg17[%swap3A_363, %swap3A_364], %broadcast_in_dim3A_1 {strides = array<i32>} : memref<32x144xf32, #tpu.memory_space<vmem>>, vector<16xf32>,
    %swap3A_366 = arith.constant 18 : i32
    %swap3A_367 = arith.index_cast %swap3A_366 : i32 to index
    %swap3A_368 = arith.constant 128 : index
    %swap3A_369 = tpu.vector_load %arg17[%swap3A_367, %swap3A_368] {strides = array<i32>} : memref<32x144xf32, #tpu.memory_space<vmem>>, vector<16xf32>,
    tpu.vector_store %arg17[%swap3A_367, %swap3A_368], %broadcast_in_dim3A_1 {strides = array<i32>} : memref<32x144xf32, #tpu.memory_space<vmem>>, vector<16xf32>,
    %swap3A_370 = arith.constant 19 : i32
    %swap3A_371 = arith.index_cast %swap3A_370 : i32 to index
    %swap3A_372 = arith.constant 128 : index
    %swap3A_373 = tpu.vector_load %arg17[%swap3A_371, %swap3A_372] {strides = array<i32>} : memref<32x144xf32, #tpu.memory_space<vmem>>, vector<16xf32>,
    tpu.vector_store %arg17[%swap3A_371, %swap3A_372], %broadcast_in_dim3A_1 {strides = array<i32>} : memref<32x144xf32, #tpu.memory_space<vmem>>, vector<16xf32>,
    %swap3A_374 = arith.constant 20 : i32
    %swap3A_375 = arith.index_cast %swap3A_374 : i32 to index
    %swap3A_376 = arith.constant 128 : index
    %swap3A_377 = tpu.vector_load %arg17[%swap3A_375, %swap3A_376] {strides = array<i32>} : memref<32x144xf32, #tpu.memory_space<vmem>>, vector<16xf32>,
    tpu.vector_store %arg17[%swap3A_375, %swap3A_376], %broadcast_in_dim3A_1 {strides = array<i32>} : memref<32x144xf32, #tpu.memory_space<vmem>>, vector<16xf32>,
    %swap3A_378 = arith.constant 21 : i32
    %swap3A_379 = arith.index_cast %swap3A_378 : i32 to index
    %swap3A_380 = arith.constant 128 : index
    %swap3A_381 = tpu.vector_load %arg17[%swap3A_379, %swap3A_380] {strides = array<i32>} : memref<32x144xf32, #tpu.memory_space<vmem>>, vector<16xf32>,
    tpu.vector_store %arg17[%swap3A_379, %swap3A_380], %broadcast_in_dim3A_1 {strides = array<i32>} : memref<32x144xf32, #tpu.memory_space<vmem>>, vector<16xf32>,
    %swap3A_382 = arith.constant 22 : i32
    %swap3A_383 = arith.index_cast %swap3A_382 : i32 to index
    %swap3A_384 = arith.constant 128 : index
    %swap3A_385 = tpu.vector_load %arg17[%swap3A_383, %swap3A_384] {strides = array<i32>} : memref<32x144xf32, #tpu.memory_space<vmem>>, vector<16xf32>,
    tpu.vector_store %arg17[%swap3A_383, %swap3A_384], %broadcast_in_dim3A_1 {strides = array<i32>} : memref<32x144xf32, #tpu.memory_space<vmem>>, vector<16xf32>,
    %swap3A_386 = arith.constant 23 : i32
    %swap3A_387 = arith.index_cast %swap3A_386 : i32 to index
    %swap3A_388 = arith.constant 128 : index
    %swap3A_389 = tpu.vector_load %arg17[%swap3A_387, %swap3A_388] {strides = array<i32>} : memref<32x144xf32, #tpu.memory_space<vmem>>, vector<16xf32>,
    tpu.vector_store %arg17[%swap3A_387, %swap3A_388], %broadcast_in_dim3A_1 {strides = array<i32>} : memref<32x144xf32, #tpu.memory_space<vmem>>, vector<16xf32>,
    %swap3A_390 = arith.constant 24 : i32
    %swap3A_391 = arith.index_cast %swap3A_390 : i32 to index
    %swap3A_392 = arith.constant 128 : index
    %swap3A_393 = tpu.vector_load %arg17[%swap3A_391, %swap3A_392] {strides = array<i32>} : memref<32x144xf32, #tpu.memory_space<vmem>>, vector<16xf32>,
    tpu.vector_store %arg17[%swap3A_391, %swap3A_392], %broadcast_in_dim3A_1 {strides = array<i32>} : memref<32x144xf32, #tpu.memory_space<vmem>>, vector<16xf32>,
    %swap3A_394 = arith.constant 25 : i32
    %swap3A_395 = arith.index_cast %swap3A_394 : i32 to index
    %swap3A_396 = arith.constant 128 : index
    %swap3A_397 = tpu.vector_load %arg17[%swap3A_395, %swap3A_396] {strides = array<i32>} : memref<32x144xf32, #tpu.memory_space<vmem>>, vector<16xf32>,
    tpu.vector_store %arg17[%swap3A_395, %swap3A_396], %broadcast_in_dim3A_1 {strides = array<i32>} : memref<32x144xf32, #tpu.memory_space<vmem>>, vector<16xf32>,
    %swap3A_398 = arith.constant 26 : i32
    %swap3A_399 = arith.index_cast %swap3A_398 : i32 to index
    %swap3A_400 = arith.constant 128 : index
    %swap3A_401 = tpu.vector_load %arg17[%swap3A_399, %swap3A_400] {strides = array<i32>} : memref<32x144xf32, #tpu.memory_space<vmem>>, vector<16xf32>,
    tpu.vector_store %arg17[%swap3A_399, %swap3A_400], %broadcast_in_dim3A_1 {strides = array<i32>} : memref<32x144xf32, #tpu.memory_space<vmem>>, vector<16xf32>,
    %swap3A_402 = arith.constant 27 : i32
    %swap3A_403 = arith.index_cast %swap3A_402 : i32 to index
    %swap3A_404 = arith.constant 128 : index
    %swap3A_405 = tpu.vector_load %arg17[%swap3A_403, %swap3A_404] {strides = array<i32>} : memref<32x144xf32, #tpu.memory_space<vmem>>, vector<16xf32>,
    tpu.vector_store %arg17[%swap3A_403, %swap3A_404], %broadcast_in_dim3A_1 {strides = array<i32>} : memref<32x144xf32, #tpu.memory_space<vmem>>, vector<16xf32>,
    %swap3A_406 = arith.constant 28 : i32
    %swap3A_407 = arith.index_cast %swap3A_406 : i32 to index
    %swap3A_408 = arith.constant 128 : index
    %swap3A_409 = tpu.vector_load %arg17[%swap3A_407, %swap3A_408] {strides = array<i32>} : memref<32x144xf32, #tpu.memory_space<vmem>>, vector<16xf32>,
    tpu.vector_store %arg17[%swap3A_407, %swap3A_408], %broadcast_in_dim3A_1 {strides = array<i32>} : memref<32x144xf32, #tpu.memory_space<vmem>>, vector<16xf32>,
    %swap3A_410 = arith.constant 29 : i32
    %swap3A_411 = arith.index_cast %swap3A_410 : i32 to index
    %swap3A_412 = arith.constant 128 : index
    %swap3A_413 = tpu.vector_load %arg17[%swap3A_411, %swap3A_412] {strides = array<i32>} : memref<32x144xf32, #tpu.memory_space<vmem>>, vector<16xf32>,
    tpu.vector_store %arg17[%swap3A_411, %swap3A_412], %broadcast_in_dim3A_1 {strides = array<i32>} : memref<32x144xf32, #tpu.memory_space<vmem>>, vector<16xf32>,
    %swap3A_414 = arith.constant 30 : i32
    %swap3A_415 = arith.index_cast %swap3A_414 : i32 to index
    %swap3A_416 = arith.constant 128 : index
    %swap3A_417 = tpu.vector_load %arg17[%swap3A_415, %swap3A_416] {strides = array<i32>} : memref<32x144xf32, #tpu.memory_space<vmem>>, vector<16xf32>,
    tpu.vector_store %arg17[%swap3A_415, %swap3A_416], %broadcast_in_dim3A_1 {strides = array<i32>} : memref<32x144xf32, #tpu.memory_space<vmem>>, vector<16xf32>,
    %swap3A_418 = arith.constant 31 : i32
    %swap3A_419 = arith.index_cast %swap3A_418 : i32 to index
    %swap3A_420 = arith.constant 128 : index
    %swap3A_421 = tpu.vector_load %arg17[%swap3A_419, %swap3A_420] {strides = array<i32>} : memref<32x144xf32, #tpu.memory_space<vmem>>, vector<16xf32>,
    tpu.vector_store %arg17[%swap3A_419, %swap3A_420], %broadcast_in_dim3A_1 {strides = array<i32>} : memref<32x144xf32, #tpu.memory_space<vmem>>, vector<16xf32>,
    %barrier3A = arith.constant 0 : index
    tpu.barrier barrier_id(%barrier3A)
    %mul3A_422 = arith.constant 5120 : i32
    %mul3A_423 = arith.muli %add3A, %mul3A_422 : i32
    %add3A_424 = arith.constant 0 : i32
    %add3A_425 = arith.addi %mul3A_423, %add3A_424 : i32
    "tpu.region"() ({
      %run_scoped3A = tpu.sem_alloc : memref<!tpu.dma_semaphore, #tpu.memory_space<semaphore_mem>>
      %dma_start3A_440 = tpu.memref_slice %arg4[%add3A_425] : memref<163840xi32, #tpu.memory_space<hbm>> -> memref<32xi32, #tpu.memory_space<hbm>>
      %dma_start3A_441 = tpu.memref_slice %arg4[%add3A_425] : memref<163840xi32, #tpu.memory_space<hbm>> -> memref<32xi32, #tpu.memory_space<hbm>>
      tpu.enqueue_dma source(%dma_start3A_441 : memref<32xi32, #tpu.memory_space<hbm>>) target(%arg7 : memref<32xi32, #tpu.memory_space<vmem>>) target_semaphore(%run_scoped3A : memref<!tpu.dma_semaphore, #tpu.memory_space<semaphore_mem>>)
      %dma_wait3A = tpu.memref_slice %arg4[%add3A_425] : memref<163840xi32, #tpu.memory_space<hbm>> -> memref<32xi32, #tpu.memory_space<hbm>>
      %dma_wait3A_442 = tpu.memref_slice %arg4[%add3A_425] : memref<163840xi32, #tpu.memory_space<hbm>> -> memref<32xi32, #tpu.memory_space<hbm>>
      tpu.wait_dma2 semaphore(%run_scoped3A : memref<!tpu.dma_semaphore, #tpu.memory_space<semaphore_mem>>) src(%dma_wait3A_442 : memref<32xi32, #tpu.memory_space<hbm>>) dst(%arg7 : memref<32xi32, #tpu.memory_space<vmem>>)
      tpu.yield
    }) : () -> ()
    "tpu.region"() ({
      %run_scoped3A = tpu.sem_alloc : memref<!tpu.dma_semaphore, #tpu.memory_space<semaphore_mem>>
      %dma_start3A_440 = tpu.memref_slice %arg5[%add3A_425] : memref<163840xi32, #tpu.memory_space<hbm>> -> memref<32xi32, #tpu.memory_space<hbm>>
      %dma_start3A_441 = tpu.memref_slice %arg5[%add3A_425] : memref<163840xi32, #tpu.memory_space<hbm>> -> memref<32xi32, #tpu.memory_space<hbm>>
      tpu.enqueue_dma source(%dma_start3A_441 : memref<32xi32, #tpu.memory_space<hbm>>) target(%arg8 : memref<32xi32, #tpu.memory_space<vmem>>) target_semaphore(%run_scoped3A : memref<!tpu.dma_semaphore, #tpu.memory_space<semaphore_mem>>)
      %dma_wait3A = tpu.memref_slice %arg5[%add3A_425] : memref<163840xi32, #tpu.memory_space<hbm>> -> memref<32xi32, #tpu.memory_space<hbm>>
      %dma_wait3A_442 = tpu.memref_slice %arg5[%add3A_425] : memref<163840xi32, #tpu.memory_space<hbm>> -> memref<32xi32, #tpu.memory_space<hbm>>
      tpu.wait_dma2 semaphore(%run_scoped3A : memref<!tpu.dma_semaphore, #tpu.memory_space<semaphore_mem>>) src(%dma_wait3A_442 : memref<32xi32, #tpu.memory_space<hbm>>) dst(%arg8 : memref<32xi32, #tpu.memory_space<vmem>>)
      tpu.yield
    }) : () -> ()
    "tpu.region"() ({
      %run_scoped3A = tpu.sem_alloc : memref<!tpu.dma_semaphore, #tpu.memory_space<semaphore_mem>>
      %dma_start3A_440 = arith.constant 0 : i32
      %dma_start3A_441 = tpu.memref_slice %arg3[%add3A_425, %dma_start3A_440] : memref<163840x16xf32, #tpu.memory_space<hbm>> -> memref<32x16xf32, #tpu.memory_space<hbm>>
      %dma_start3A_442 = arith.constant 0 : i32
      %dma_start3A_443 = tpu.memref_slice %arg3[%add3A_425, %dma_start3A_442] : memref<163840x16xf32, #tpu.memory_space<hbm>> -> memref<32x16xf32, #tpu.memory_space<hbm>>
      tpu.enqueue_dma source(%dma_start3A_443 : memref<32x16xf32, #tpu.memory_space<hbm>>) target(%arg11 : memref<32x16xf32, #tpu.memory_space<vmem>>) target_semaphore(%run_scoped3A : memref<!tpu.dma_semaphore, #tpu.memory_space<semaphore_mem>>)
      %dma_wait3A = arith.constant 0 : i32
      %dma_wait3A_444 = tpu.memref_slice %arg3[%add3A_425, %dma_wait3A] : memref<163840x16xf32, #tpu.memory_space<hbm>> -> memref<32x16xf32, #tpu.memory_space<hbm>>
      %dma_wait3A_445 = arith.constant 0 : i32
      %dma_wait3A_446 = tpu.memref_slice %arg3[%add3A_425, %dma_wait3A_445] : memref<163840x16xf32, #tpu.memory_space<hbm>> -> memref<32x16xf32, #tpu.memory_space<hbm>>
      tpu.wait_dma2 semaphore(%run_scoped3A : memref<!tpu.dma_semaphore, #tpu.memory_space<semaphore_mem>>) src(%dma_wait3A_446 : memref<32x16xf32, #tpu.memory_space<hbm>>) dst(%arg11 : memref<32x16xf32, #tpu.memory_space<vmem>>)
      tpu.yield
    }) : () -> ()
    %dma_start3A = arith.constant 0 : i32
    %dma_start3A_426 = arith.constant 0 : i32
    %dma_start3A_427 = tpu.memref_slice %arg2[%dma_start3A, %dma_start3A_426] : memref<10000x160xf32, #tpu.memory_space<hbm>> -> memref<10000x160xf32, #tpu.memory_space<hbm>>
    tpu.enqueue_indirect_dma source(%dma_start3A_427 : memref<10000x160xf32, #tpu.memory_space<hbm>>) target(%arg9 : memref<32x160xf32, #tpu.memory_space<vmem>>) offsets(%arg7 : memref<32xi32, #tpu.memory_space<vmem>>) semaphore(%arg20 : memref<!tpu.dma_semaphore, #tpu.memory_space<semaphore_mem>>)
    %dma_start3A_428 = arith.constant 0 : i32
    %dma_start3A_429 = arith.constant 0 : i32
    %dma_start3A_430 = tpu.memref_slice %arg2[%dma_start3A_428, %dma_start3A_429] : memref<10000x160xf32, #tpu.memory_space<hbm>> -> memref<10000x160xf32, #tpu.memory_space<hbm>>
    tpu.enqueue_indirect_dma source(%dma_start3A_430 : memref<10000x160xf32, #tpu.memory_space<hbm>>) target(%arg10 : memref<32x160xf32, #tpu.memory_space<vmem>>) offsets(%arg8 : memref<32xi32, #tpu.memory_space<vmem>>) semaphore(%arg20 : memref<!tpu.dma_semaphore, #tpu.memory_space<semaphore_mem>>)
    %scan3A_431 = arith.constant 0 : i32
    %scan3A_432 = arith.constant 0 : i32
    %scan3A_433 = arith.constant 80 : i32
    %scan3A_434 = arith.addi %scan3A_432, %scan3A_433 : i32
    %scan3A_435 = arith.constant 1 : i32
    scf.for %scan3A_440 = %scan3A_432 to %scan3A_434 step %scan3A_435  : i32 {
      %mul3A_441 = arith.constant 2 : i32
      %mul3A_442 = arith.muli %mul3A_441, %scan3A_440 : i32
      %add3A_443 = arith.constant 1 : i32
      %add3A_444 = arith.addi %mul3A_442, %add3A_443 : i32
      %mul3A_445 = arith.constant 32 : i32
      %mul3A_446 = arith.muli %add3A_444, %mul3A_445 : i32
      %add3A_447 = arith.addi %mul3A_423, %mul3A_446 : i32
      "tpu.region"() ({
        %run_scoped3A = tpu.sem_alloc : memref<!tpu.dma_semaphore, #tpu.memory_space<semaphore_mem>>
        %dma_start3A_471 = tpu.memref_slice %arg4[%add3A_447] : memref<163840xi32, #tpu.memory_space<hbm>> -> memref<32xi32, #tpu.memory_space<hbm>>
        %dma_start3A_472 = tpu.memref_slice %arg4[%add3A_447] : memref<163840xi32, #tpu.memory_space<hbm>> -> memref<32xi32, #tpu.memory_space<hbm>>
        tpu.enqueue_dma source(%dma_start3A_472 : memref<32xi32, #tpu.memory_space<hbm>>) target(%arg12 : memref<32xi32, #tpu.memory_space<vmem>>) target_semaphore(%run_scoped3A : memref<!tpu.dma_semaphore, #tpu.memory_space<semaphore_mem>>)
        %dma_wait3A_473 = tpu.memref_slice %arg4[%add3A_447] : memref<163840xi32, #tpu.memory_space<hbm>> -> memref<32xi32, #tpu.memory_space<hbm>>
        %dma_wait3A_474 = tpu.memref_slice %arg4[%add3A_447] : memref<163840xi32, #tpu.memory_space<hbm>> -> memref<32xi32, #tpu.memory_space<hbm>>
        tpu.wait_dma2 semaphore(%run_scoped3A : memref<!tpu.dma_semaphore, #tpu.memory_space<semaphore_mem>>) src(%dma_wait3A_474 : memref<32xi32, #tpu.memory_space<hbm>>) dst(%arg12 : memref<32xi32, #tpu.memory_space<vmem>>)
        tpu.yield
      }) : () -> ()
      "tpu.region"() ({
        %run_scoped3A = tpu.sem_alloc : memref<!tpu.dma_semaphore, #tpu.memory_space<semaphore_mem>>
        %dma_start3A_471 = tpu.memref_slice %arg5[%add3A_447] : memref<163840xi32, #tpu.memory_space<hbm>> -> memref<32xi32, #tpu.memory_space<hbm>>
        %dma_start3A_472 = tpu.memref_slice %arg5[%add3A_447] : memref<163840xi32, #tpu.memory_space<hbm>> -> memref<32xi32, #tpu.memory_space<hbm>>
        tpu.enqueue_dma source(%dma_start3A_472 : memref<32xi32, #tpu.memory_space<hbm>>) target(%arg13 : memref<32xi32, #tpu.memory_space<vmem>>) target_semaphore(%run_scoped3A : memref<!tpu.dma_semaphore, #tpu.memory_space<semaphore_mem>>)
        %dma_wait3A_473 = tpu.memref_slice %arg5[%add3A_447] : memref<163840xi32, #tpu.memory_space<hbm>> -> memref<32xi32, #tpu.memory_space<hbm>>
        %dma_wait3A_474 = tpu.memref_slice %arg5[%add3A_447] : memref<163840xi32, #tpu.memory_space<hbm>> -> memref<32xi32, #tpu.memory_space<hbm>>
        tpu.wait_dma2 semaphore(%run_scoped3A : memref<!tpu.dma_semaphore, #tpu.memory_space<semaphore_mem>>) src(%dma_wait3A_474 : memref<32xi32, #tpu.memory_space<hbm>>) dst(%arg13 : memref<32xi32, #tpu.memory_space<vmem>>)
        tpu.yield
      }) : () -> ()
      "tpu.region"() ({
        %run_scoped3A = tpu.sem_alloc : memref<!tpu.dma_semaphore, #tpu.memory_space<semaphore_mem>>
        %dma_start3A_471 = arith.constant 0 : i32
        %dma_start3A_472 = tpu.memref_slice %arg3[%add3A_447, %dma_start3A_471] : memref<163840x16xf32, #tpu.memory_space<hbm>> -> memref<32x16xf32, #tpu.memory_space<hbm>>
        %dma_start3A_473 = arith.constant 0 : i32
        %dma_start3A_474 = tpu.memref_slice %arg3[%add3A_447, %dma_start3A_473] : memref<163840x16xf32, #tpu.memory_space<hbm>> -> memref<32x16xf32, #tpu.memory_space<hbm>>
        tpu.enqueue_dma source(%dma_start3A_474 : memref<32x16xf32, #tpu.memory_space<hbm>>) target(%arg16 : memref<32x16xf32, #tpu.memory_space<vmem>>) target_semaphore(%run_scoped3A : memref<!tpu.dma_semaphore, #tpu.memory_space<semaphore_mem>>)
        %dma_wait3A_475 = arith.constant 0 : i32
        %dma_wait3A_476 = tpu.memref_slice %arg3[%add3A_447, %dma_wait3A_475] : memref<163840x16xf32, #tpu.memory_space<hbm>> -> memref<32x16xf32, #tpu.memory_space<hbm>>
        %dma_wait3A_477 = arith.constant 0 : i32
        %dma_wait3A_478 = tpu.memref_slice %arg3[%add3A_447, %dma_wait3A_477] : memref<163840x16xf32, #tpu.memory_space<hbm>> -> memref<32x16xf32, #tpu.memory_space<hbm>>
        tpu.wait_dma2 semaphore(%run_scoped3A : memref<!tpu.dma_semaphore, #tpu.memory_space<semaphore_mem>>) src(%dma_wait3A_478 : memref<32x16xf32, #tpu.memory_space<hbm>>) dst(%arg16 : memref<32x16xf32, #tpu.memory_space<vmem>>)
        tpu.yield
      }) : () -> ()
      %dma_start3A_448 = arith.constant 0 : i32
      %dma_start3A_449 = arith.constant 0 : i32
      %dma_start3A_450 = tpu.memref_slice %arg2[%dma_start3A_448, %dma_start3A_449] : memref<10000x160xf32, #tpu.memory_space<hbm>> -> memref<10000x160xf32, #tpu.memory_space<hbm>>
      tpu.enqueue_indirect_dma source(%dma_start3A_450 : memref<10000x160xf32, #tpu.memory_space<hbm>>) target(%arg14 : memref<32x160xf32, #tpu.memory_space<vmem>>) offsets(%arg12 : memref<32xi32, #tpu.memory_space<vmem>>) semaphore(%arg21 : memref<!tpu.dma_semaphore, #tpu.memory_space<semaphore_mem>>)
      %dma_start3A_451 = arith.constant 0 : i32
      %dma_start3A_452 = arith.constant 0 : i32
      %dma_start3A_453 = tpu.memref_slice %arg2[%dma_start3A_451, %dma_start3A_452] : memref<10000x160xf32, #tpu.memory_space<hbm>> -> memref<10000x160xf32, #tpu.memory_space<hbm>>
      tpu.enqueue_indirect_dma source(%dma_start3A_453 : memref<10000x160xf32, #tpu.memory_space<hbm>>) target(%arg15 : memref<32x160xf32, #tpu.memory_space<vmem>>) offsets(%arg13 : memref<32xi32, #tpu.memory_space<vmem>>) semaphore(%arg21 : memref<!tpu.dma_semaphore, #tpu.memory_space<semaphore_mem>>)
      %dma_wait3A = arith.constant 0 : i32
      %dma_wait3A_454 = arith.constant 0 : i32
      %dma_wait3A_455 = tpu.memref_slice %arg2[%dma_wait3A, %dma_wait3A_454] : memref<10000x160xf32, #tpu.memory_space<hbm>> -> memref<10000x160xf32, #tpu.memory_space<hbm>>
      tpu.wait_indirect_dma semaphore(%arg20 : memref<!tpu.dma_semaphore, #tpu.memory_space<semaphore_mem>>) src(%dma_wait3A_455 : memref<10000x160xf32, #tpu.memory_space<hbm>>) dst(%arg9 : memref<32x160xf32, #tpu.memory_space<vmem>>)
      %dma_wait3A_456 = arith.constant 0 : i32
      %dma_wait3A_457 = arith.constant 0 : i32
      %dma_wait3A_458 = tpu.memref_slice %arg2[%dma_wait3A_456, %dma_wait3A_457] : memref<10000x160xf32, #tpu.memory_space<hbm>> -> memref<10000x160xf32, #tpu.memory_space<hbm>>
      tpu.wait_indirect_dma semaphore(%arg20 : memref<!tpu.dma_semaphore, #tpu.memory_space<semaphore_mem>>) src(%dma_wait3A_458 : memref<10000x160xf32, #tpu.memory_space<hbm>>) dst(%arg10 : memref<32x160xf32, #tpu.memory_space<vmem>>)
      "tpu.region"() ({
        %run_scoped3A = tpu.sem_alloc : memref<!tpu.dma_semaphore, #tpu.memory_space<semaphore_mem>>
        %dma_start3A_471 = arith.constant 0 : i32
        %dma_start3A_472 = arith.constant 0 : i32
        %dma_start3A_473 = tpu.memref_slice %arg19[%dma_start3A_471, %dma_start3A_472] : memref<10240x144xf32, #tpu.memory_space<vmem_shared>> -> memref<10240x144xf32, #tpu.memory_space<vmem_shared>>
        tpu.enqueue_indirect_dma source(%arg17 : memref<32x144xf32, #tpu.memory_space<vmem>>) target(%dma_start3A_473 : memref<10240x144xf32, #tpu.memory_space<vmem_shared>>) offsets(%arg8 : memref<32xi32, #tpu.memory_space<vmem>>) semaphore(%run_scoped3A : memref<!tpu.dma_semaphore, #tpu.memory_space<semaphore_mem>>) {add = true}
        %dma_wait3A_474 = arith.constant 0 : i32
        %dma_wait3A_475 = arith.constant 0 : i32
        %dma_wait3A_476 = tpu.memref_slice %arg19[%dma_wait3A_474, %dma_wait3A_475] : memref<10240x144xf32, #tpu.memory_space<vmem_shared>> -> memref<10240x144xf32, #tpu.memory_space<vmem_shared>>
        tpu.wait_indirect_dma semaphore(%run_scoped3A : memref<!tpu.dma_semaphore, #tpu.memory_space<semaphore_mem>>) src(%arg17 : memref<32x144xf32, #tpu.memory_space<vmem>>) dst(%dma_wait3A_476 : memref<10240x144xf32, #tpu.memory_space<vmem_shared>>)
        tpu.yield
      }) : () -> ()
      %add3A_459 = arith.constant 1 : i32
      %add3A_460 = arith.addi %scan3A_440, %add3A_459 : i32
      %lt3A = arith.constant 80 : i32
      %lt3A_461 = arith.cmpi slt, %add3A_460, %lt3A : i32
      %convert_element_type3A = arith.extui %lt3A_461 : i1 to i32
      %cond3A = arith.constant 0 : i32
      %cond3A_462 = arith.cmpi ne, %convert_element_type3A, %cond3A : i32
      scf.if %cond3A_462 {
        %add3A_471 = arith.constant 2 : i32
        %add3A_472 = arith.addi %mul3A_442, %add3A_471 : i32
        %mul3A_473 = arith.constant 32 : i32
        %mul3A_474 = arith.muli %add3A_472, %mul3A_473 : i32
        %add3A_475 = arith.addi %mul3A_423, %mul3A_474 : i32
        "tpu.region"() ({
          %run_scoped3A = tpu.sem_alloc : memref<!tpu.dma_semaphore, #tpu.memory_space<semaphore_mem>>
          %dma_start3A_482 = tpu.memref_slice %arg4[%add3A_475] : memref<163840xi32, #tpu.memory_space<hbm>> -> memref<32xi32, #tpu.memory_space<hbm>>
          %dma_start3A_483 = tpu.memref_slice %arg4[%add3A_475] : memref<163840xi32, #tpu.memory_space<hbm>> -> memref<32xi32, #tpu.memory_space<hbm>>
          tpu.enqueue_dma source(%dma_start3A_483 : memref<32xi32, #tpu.memory_space<hbm>>) target(%arg7 : memref<32xi32, #tpu.memory_space<vmem>>) target_semaphore(%run_scoped3A : memref<!tpu.dma_semaphore, #tpu.memory_space<semaphore_mem>>)
          %dma_wait3A_484 = tpu.memref_slice %arg4[%add3A_475] : memref<163840xi32, #tpu.memory_space<hbm>> -> memref<32xi32, #tpu.memory_space<hbm>>
          %dma_wait3A_485 = tpu.memref_slice %arg4[%add3A_475] : memref<163840xi32, #tpu.memory_space<hbm>> -> memref<32xi32, #tpu.memory_space<hbm>>
          tpu.wait_dma2 semaphore(%run_scoped3A : memref<!tpu.dma_semaphore, #tpu.memory_space<semaphore_mem>>) src(%dma_wait3A_485 : memref<32xi32, #tpu.memory_space<hbm>>) dst(%arg7 : memref<32xi32, #tpu.memory_space<vmem>>)
          tpu.yield
        }) : () -> ()
        "tpu.region"() ({
          %run_scoped3A = tpu.sem_alloc : memref<!tpu.dma_semaphore, #tpu.memory_space<semaphore_mem>>
          %dma_start3A_482 = tpu.memref_slice %arg5[%add3A_475] : memref<163840xi32, #tpu.memory_space<hbm>> -> memref<32xi32, #tpu.memory_space<hbm>>
          %dma_start3A_483 = tpu.memref_slice %arg5[%add3A_475] : memref<163840xi32, #tpu.memory_space<hbm>> -> memref<32xi32, #tpu.memory_space<hbm>>
          tpu.enqueue_dma source(%dma_start3A_483 : memref<32xi32, #tpu.memory_space<hbm>>) target(%arg8 : memref<32xi32, #tpu.memory_space<vmem>>) target_semaphore(%run_scoped3A : memref<!tpu.dma_semaphore, #tpu.memory_space<semaphore_mem>>)
          %dma_wait3A_484 = tpu.memref_slice %arg5[%add3A_475] : memref<163840xi32, #tpu.memory_space<hbm>> -> memref<32xi32, #tpu.memory_space<hbm>>
          %dma_wait3A_485 = tpu.memref_slice %arg5[%add3A_475] : memref<163840xi32, #tpu.memory_space<hbm>> -> memref<32xi32, #tpu.memory_space<hbm>>
          tpu.wait_dma2 semaphore(%run_scoped3A : memref<!tpu.dma_semaphore, #tpu.memory_space<semaphore_mem>>) src(%dma_wait3A_485 : memref<32xi32, #tpu.memory_space<hbm>>) dst(%arg8 : memref<32xi32, #tpu.memory_space<vmem>>)
          tpu.yield
        }) : () -> ()
        "tpu.region"() ({
          %run_scoped3A = tpu.sem_alloc : memref<!tpu.dma_semaphore, #tpu.memory_space<semaphore_mem>>
          %dma_start3A_482 = arith.constant 0 : i32
          %dma_start3A_483 = tpu.memref_slice %arg3[%add3A_475, %dma_start3A_482] : memref<163840x16xf32, #tpu.memory_space<hbm>> -> memref<32x16xf32, #tpu.memory_space<hbm>>
          %dma_start3A_484 = arith.constant 0 : i32
          %dma_start3A_485 = tpu.memref_slice %arg3[%add3A_475, %dma_start3A_484] : memref<163840x16xf32, #tpu.memory_space<hbm>> -> memref<32x16xf32, #tpu.memory_space<hbm>>
          tpu.enqueue_dma source(%dma_start3A_485 : memref<32x16xf32, #tpu.memory_space<hbm>>) target(%arg11 : memref<32x16xf32, #tpu.memory_space<vmem>>) target_semaphore(%run_scoped3A : memref<!tpu.dma_semaphore, #tpu.memory_space<semaphore_mem>>)
          %dma_wait3A_486 = arith.constant 0 : i32
          %dma_wait3A_487 = tpu.memref_slice %arg3[%add3A_475, %dma_wait3A_486] : memref<163840x16xf32, #tpu.memory_space<hbm>> -> memref<32x16xf32, #tpu.memory_space<hbm>>
          %dma_wait3A_488 = arith.constant 0 : i32
          %dma_wait3A_489 = tpu.memref_slice %arg3[%add3A_475, %dma_wait3A_488] : memref<163840x16xf32, #tpu.memory_space<hbm>> -> memref<32x16xf32, #tpu.memory_space<hbm>>
          tpu.wait_dma2 semaphore(%run_scoped3A : memref<!tpu.dma_semaphore, #tpu.memory_space<semaphore_mem>>) src(%dma_wait3A_489 : memref<32x16xf32, #tpu.memory_space<hbm>>) dst(%arg11 : memref<32x16xf32, #tpu.memory_space<vmem>>)
          tpu.yield
        }) : () -> ()
        %dma_start3A_476 = arith.constant 0 : i32
        %dma_start3A_477 = arith.constant 0 : i32
        %dma_start3A_478 = tpu.memref_slice %arg2[%dma_start3A_476, %dma_start3A_477] : memref<10000x160xf32, #tpu.memory_space<hbm>> -> memref<10000x160xf32, #tpu.memory_space<hbm>>
        tpu.enqueue_indirect_dma source(%dma_start3A_478 : memref<10000x160xf32, #tpu.memory_space<hbm>>) target(%arg9 : memref<32x160xf32, #tpu.memory_space<vmem>>) offsets(%arg7 : memref<32xi32, #tpu.memory_space<vmem>>) semaphore(%arg20 : memref<!tpu.dma_semaphore, #tpu.memory_space<semaphore_mem>>)
        %dma_start3A_479 = arith.constant 0 : i32
        %dma_start3A_480 = arith.constant 0 : i32
        %dma_start3A_481 = tpu.memref_slice %arg2[%dma_start3A_479, %dma_start3A_480] : memref<10000x160xf32, #tpu.memory_space<hbm>> -> memref<10000x160xf32, #tpu.memory_space<hbm>>
        tpu.enqueue_indirect_dma source(%dma_start3A_481 : memref<10000x160xf32, #tpu.memory_space<hbm>>) target(%arg10 : memref<32x160xf32, #tpu.memory_space<vmem>>) offsets(%arg8 : memref<32xi32, #tpu.memory_space<vmem>>) semaphore(%arg20 : memref<!tpu.dma_semaphore, #tpu.memory_space<semaphore_mem>>)
      } else {
      }
      %dma_wait3A_463 = arith.constant 0 : i32
      %dma_wait3A_464 = arith.constant 0 : i32
      %dma_wait3A_465 = tpu.memref_slice %arg2[%dma_wait3A_463, %dma_wait3A_464] : memref<10000x160xf32, #tpu.memory_space<hbm>> -> memref<10000x160xf32, #tpu.memory_space<hbm>>
      tpu.wait_indirect_dma semaphore(%arg21 : memref<!tpu.dma_semaphore, #tpu.memory_space<semaphore_mem>>) src(%dma_wait3A_465 : memref<10000x160xf32, #tpu.memory_space<hbm>>) dst(%arg14 : memref<32x160xf32, #tpu.memory_space<vmem>>)
      %dma_wait3A_466 = arith.constant 0 : i32
      %dma_wait3A_467 = arith.constant 0 : i32
      %dma_wait3A_468 = tpu.memref_slice %arg2[%dma_wait3A_466, %dma_wait3A_467] : memref<10000x160xf32, #tpu.memory_space<hbm>> -> memref<10000x160xf32, #tpu.memory_space<hbm>>
      tpu.wait_indirect_dma semaphore(%arg21 : memref<!tpu.dma_semaphore, #tpu.memory_space<semaphore_mem>>) src(%dma_wait3A_468 : memref<10000x160xf32, #tpu.memory_space<hbm>>) dst(%arg15 : memref<32x160xf32, #tpu.memory_space<vmem>>)
      %add3A_469 = arith.constant 1 : i32
      %add3A_470 = arith.addi %mul3A_442, %add3A_469 : i32
      "tpu.region"() ({
        %run_scoped3A = tpu.sem_alloc : memref<!tpu.dma_semaphore, #tpu.memory_space<semaphore_mem>>
        %dma_start3A_471 = arith.constant 0 : i32
        %dma_start3A_472 = arith.constant 0 : i32
        %dma_start3A_473 = tpu.memref_slice %arg19[%dma_start3A_471, %dma_start3A_472] : memref<10240x144xf32, #tpu.memory_space<vmem_shared>> -> memref<10240x144xf32, #tpu.memory_space<vmem_shared>>
        tpu.enqueue_indirect_dma source(%arg17 : memref<32x144xf32, #tpu.memory_space<vmem>>) target(%dma_start3A_473 : memref<10240x144xf32, #tpu.memory_space<vmem_shared>>) offsets(%arg13 : memref<32xi32, #tpu.memory_space<vmem>>) semaphore(%run_scoped3A : memref<!tpu.dma_semaphore, #tpu.memory_space<semaphore_mem>>) {add = true}
        %dma_wait3A_474 = arith.constant 0 : i32
        %dma_wait3A_475 = arith.constant 0 : i32
        %dma_wait3A_476 = tpu.memref_slice %arg19[%dma_wait3A_474, %dma_wait3A_475] : memref<10240x144xf32, #tpu.memory_space<vmem_shared>> -> memref<10240x144xf32, #tpu.memory_space<vmem_shared>>
        tpu.wait_indirect_dma semaphore(%run_scoped3A : memref<!tpu.dma_semaphore, #tpu.memory_space<semaphore_mem>>) src(%arg17 : memref<32x144xf32, #tpu.memory_space<vmem>>) dst(%dma_wait3A_476 : memref<10240x144xf32, #tpu.memory_space<vmem_shared>>)
        tpu.yield
      }) : () -> ()
    }
    %scan3A_436 = arith.constant 80 : i32
    %barrier3A_437 = arith.constant 0 : index
    tpu.barrier barrier_id(%barrier3A_437)
    %mul3A_438 = arith.constant 640 : i32
    %mul3A_439 = arith.muli %arg1, %mul3A_438 : i32
    "tpu.region"() ({
      %run_scoped3A = tpu.sem_alloc : memref<!tpu.dma_semaphore, #tpu.memory_space<semaphore_mem>>
      %dma_start3A_440 = arith.constant 0 : i32
      %dma_start3A_441 = tpu.memref_slice %arg6[%arg0, %mul3A_439, %dma_start3A_440] : memref<2x10240x144xf32, #tpu.memory_space<hbm>> -> memref<1x640x144xf32, #tpu.memory_space<hbm>>
      %dma_start3A_442 = tpu.memref_squeeze %dma_start3A_441 : memref<1x640x144xf32, #tpu.memory_space<hbm>> -> memref<640x144xf32, #tpu.memory_space<hbm>>
      %dma_start3A_443 = arith.constant 0 : i32
      %dma_start3A_444 = tpu.memref_slice %arg19[%mul3A_439, %dma_start3A_443] : memref<10240x144xf32, #tpu.memory_space<vmem_shared>> -> memref<640x144xf32, #tpu.memory_space<vmem_shared>>
      tpu.enqueue_dma source(%dma_start3A_444 : memref<640x144xf32, #tpu.memory_space<vmem_shared>>) target(%dma_start3A_442 : memref<640x144xf32, #tpu.memory_space<hbm>>) target_semaphore(%run_scoped3A : memref<!tpu.dma_semaphore, #tpu.memory_space<semaphore_mem>>)
      %dma_wait3A = arith.constant 0 : i32
      %dma_wait3A_445 = tpu.memref_slice %arg6[%arg0, %mul3A_439, %dma_wait3A] : memref<2x10240x144xf32, #tpu.memory_space<hbm>> -> memref<1x640x144xf32, #tpu.memory_space<hbm>>
      %dma_wait3A_446 = tpu.memref_squeeze %dma_wait3A_445 : memref<1x640x144xf32, #tpu.memory_space<hbm>> -> memref<640x144xf32, #tpu.memory_space<hbm>>
      %dma_wait3A_447 = arith.constant 0 : i32
      %dma_wait3A_448 = tpu.memref_slice %arg19[%mul3A_439, %dma_wait3A_447] : memref<10240x144xf32, #tpu.memory_space<vmem_shared>> -> memref<640x144xf32, #tpu.memory_space<vmem_shared>>
      tpu.wait_dma2 semaphore(%run_scoped3A : memref<!tpu.dma_semaphore, #tpu.memory_space<semaphore_mem>>) src(%dma_wait3A_448 : memref<640x144xf32, #tpu.memory_space<vmem_shared>>) dst(%dma_wait3A_446 : memref<640x144xf32, #tpu.memory_space<hbm>>)
      tpu.yield
    }) : () -> ()
    return
  }
}

module attributes {stable_mosaic.version = 14 : i64} {
  func.func @_node_prepass_body(%arg0: i32, %arg1: memref<400x128xf32, #tpu.memory_space<vmem>>, %arg2: memref<128x128xf32, #tpu.memory_space<vmem>>, %arg3: memref<128x128xf32, #tpu.memory_space<vmem>>, %arg4: memref<128x128xf32, #tpu.memory_space<vmem>>, %arg5: memref<128x16xf32, #tpu.memory_space<vmem>>, %arg6: memref<400x304xf32, #tpu.memory_space<vmem>>) attributes {dimension_semantics = [#tpu.dimension_semantics<arbitrary>], iteration_bounds = array<i64: 25>, scalar_prefetch = 0 : i64, scratch_operands = 0 : i64, tpu.core_type = #tpu.core_type<tc>, window_params = [{transform_indices = @transform_0, window_bounds = array<i64: 400, 128>}, {pipeline_mode = #tpu.pipeline_mode<synchronous>, transform_indices = @transform_1, window_bounds = array<i64: 128, 128>}, {pipeline_mode = #tpu.pipeline_mode<synchronous>, transform_indices = @transform_2, window_bounds = array<i64: 128, 128>}, {pipeline_mode = #tpu.pipeline_mode<synchronous>, transform_indices = @transform_3, window_bounds = array<i64: 128, 128>}, {pipeline_mode = #tpu.pipeline_mode<synchronous>, transform_indices = @transform_4, window_bounds = array<i64: 128, 16>}, {transform_indices = @transform_5, window_bounds = array<i64: 400, 304>}]} {
    %get3A = arith.constant 0 : index
    %get3A_0 = arith.constant 0 : index
    %get3A_1 = vector.load %arg1[%get3A, %get3A_0] : memref<400x128xf32, #tpu.memory_space<vmem>>, vector<400x128xf32>
    %get3A_2 = arith.constant 0 : index
    %get3A_3 = arith.constant 0 : index
    %get3A_4 = vector.load %arg2[%get3A_2, %get3A_3] : memref<128x128xf32, #tpu.memory_space<vmem>>, vector<128x128xf32>
    %get3A_5 = arith.constant 0 : index
    %get3A_6 = arith.constant 0 : index
    %get3A_7 = vector.load %arg3[%get3A_5, %get3A_6] : memref<128x128xf32, #tpu.memory_space<vmem>>, vector<128x128xf32>
    %get3A_8 = arith.constant 0 : index
    %get3A_9 = arith.constant 0 : index
    %get3A_10 = vector.load %arg4[%get3A_8, %get3A_9] : memref<128x128xf32, #tpu.memory_space<vmem>>, vector<128x128xf32>
    %get3A_11 = arith.constant 0 : index
    %get3A_12 = arith.constant 0 : index
    %get3A_13 = vector.load %arg5[%get3A_11, %get3A_12] : memref<128x16xf32, #tpu.memory_space<vmem>>, vector<128x16xf32>
    %dot_general3A = arith.constant dense<0.000000e+00> : vector<400x128xf32>
    %dot_general3A_14 = tpu.matmul %get3A_1, %get3A_4, %dot_general3A {dimension_numbers = #tpu.dot_dimension_numbers<[1], [1], [0], [0], [0, 0, 1, 0], [], []>, transpose_lhs_hint = false} : vector<400x128xf32>, vector<128x128xf32>, vector<400x128xf32> -> vector<400x128xf32>
    %dot_general3A_15 = arith.constant dense<0.000000e+00> : vector<400x128xf32>
    %dot_general3A_16 = tpu.matmul %dot_general3A_14, %get3A_7, %dot_general3A_15 {dimension_numbers = #tpu.dot_dimension_numbers<[1], [1], [0], [0], [0, 0, 1, 0], [], []>, transpose_lhs_hint = false} : vector<400x128xf32>, vector<128x128xf32>, vector<400x128xf32> -> vector<400x128xf32>
    %dot_general3A_17 = arith.constant dense<0.000000e+00> : vector<400x128xf32>
    %dot_general3A_18 = tpu.matmul %dot_general3A_16, %get3A_10, %dot_general3A_17 {dimension_numbers = #tpu.dot_dimension_numbers<[1], [0], [0], [1], [0, 0, 1, 1], [], []>, transpose_lhs_hint = false} : vector<400x128xf32>, vector<128x128xf32>, vector<400x128xf32> -> vector<400x128xf32>
    %dot_general3A_19 = arith.constant dense<0.000000e+00> : vector<400x128xf32>
    %dot_general3A_20 = tpu.matmul %dot_general3A_14, %get3A_10, %dot_general3A_19 {dimension_numbers = #tpu.dot_dimension_numbers<[1], [1], [0], [0], [0, 0, 1, 0], [], []>, transpose_lhs_hint = false} : vector<400x128xf32>, vector<128x128xf32>, vector<400x128xf32> -> vector<400x128xf32>
    %dot_general3A_21 = arith.constant dense<0.000000e+00> : vector<400x128xf32>
    %dot_general3A_22 = tpu.matmul %dot_general3A_20, %get3A_7, %dot_general3A_21 {dimension_numbers = #tpu.dot_dimension_numbers<[1], [0], [0], [1], [0, 0, 1, 1], [], []>, transpose_lhs_hint = false} : vector<400x128xf32>, vector<128x128xf32>, vector<400x128xf32> -> vector<400x128xf32>
    %dot_general3A_23 = arith.constant dense<0.000000e+00> : vector<400x16xf32>
    %dot_general3A_24 = tpu.matmul %dot_general3A_18, %get3A_13, %dot_general3A_23 {dimension_numbers = #tpu.dot_dimension_numbers<[1], [0], [0], [1], [0, 0, 1, 1], [], []>, transpose_lhs_hint = false} : vector<400x128xf32>, vector<128x16xf32>, vector<400x16xf32> -> vector<400x16xf32>
    %dot_general3A_25 = arith.constant dense<0.000000e+00> : vector<400x16xf32>
    %dot_general3A_26 = tpu.matmul %dot_general3A_22, %get3A_13, %dot_general3A_25 {dimension_numbers = #tpu.dot_dimension_numbers<[1], [0], [0], [1], [0, 0, 1, 1], [], []>, transpose_lhs_hint = false} : vector<400x128xf32>, vector<128x16xf32>, vector<400x16xf32> -> vector<400x16xf32>
    %mul3A = arith.mulf %dot_general3A_14, %dot_general3A_18 : vector<400x128xf32>
    %reduce_sum3A = arith.constant dense<0.000000e+00> : vector<400xf32>
    %reduce_sum3A_27 = vector.multi_reduction <add>, %mul3A, %reduce_sum3A [1] : vector<400x128xf32> to vector<400xf32>
    %broadcast_in_dim3A = vector.shape_cast %reduce_sum3A_27 : vector<400xf32> to vector<400x1xf32>
    %swap3A = arith.constant 0 : index
    %swap3A_28 = arith.constant 0 : index
    %swap3A_29 = vector.load %arg6[%swap3A, %swap3A_28] : memref<400x304xf32, #tpu.memory_space<vmem>>, vector<400x128xf32>
    tpu.vector_store %arg6[%swap3A, %swap3A_28], %dot_general3A_14 {strides = array<i32>} : memref<400x304xf32, #tpu.memory_space<vmem>>, vector<400x128xf32>,
    %swap3A_30 = arith.constant 0 : index
    %swap3A_31 = arith.constant 128 : index
    %swap3A_32 = vector.load %arg6[%swap3A_30, %swap3A_31] : memref<400x304xf32, #tpu.memory_space<vmem>>, vector<400x128xf32>
    tpu.vector_store %arg6[%swap3A_30, %swap3A_31], %dot_general3A_18 {strides = array<i32>} : memref<400x304xf32, #tpu.memory_space<vmem>>, vector<400x128xf32>,
    %swap3A_33 = arith.constant 0 : index
    %swap3A_34 = arith.constant 256 : index
    %swap3A_35 = vector.load %arg6[%swap3A_33, %swap3A_34] : memref<400x304xf32, #tpu.memory_space<vmem>>, vector<400x16xf32>
    tpu.vector_store %arg6[%swap3A_33, %swap3A_34], %dot_general3A_24 {strides = array<i32>} : memref<400x304xf32, #tpu.memory_space<vmem>>, vector<400x16xf32>,
    %swap3A_36 = arith.constant 0 : index
    %swap3A_37 = arith.constant 272 : index
    %swap3A_38 = vector.load %arg6[%swap3A_36, %swap3A_37] : memref<400x304xf32, #tpu.memory_space<vmem>>, vector<400x16xf32>
    tpu.vector_store %arg6[%swap3A_36, %swap3A_37], %dot_general3A_26 {strides = array<i32>} : memref<400x304xf32, #tpu.memory_space<vmem>>, vector<400x16xf32>,
    %broadcast_in_dim3A_39 = arith.constant 0.000000e+00 : f32
    %broadcast_in_dim3A_40 = vector.broadcast %broadcast_in_dim3A_39 : f32 to vector<400x15xf32>
    %concatenate3A = tpu.concatenate %broadcast_in_dim3A, %broadcast_in_dim3A_40 in 1 : vector<400x1xf32>, vector<400x15xf32> -> vector<400x16xf32>
    %swap3A_41 = arith.constant 0 : index
    %swap3A_42 = arith.constant 288 : index
    %swap3A_43 = vector.load %arg6[%swap3A_41, %swap3A_42] : memref<400x304xf32, #tpu.memory_space<vmem>>, vector<400x16xf32>
    tpu.vector_store %arg6[%swap3A_41, %swap3A_42], %concatenate3A {strides = array<i32>} : memref<400x304xf32, #tpu.memory_space<vmem>>, vector<400x16xf32>,
    return
  }
  func.func @transform_0(%arg0: i32) -> (i32, i32) {
    %c0_i32 = arith.constant 0 : i32
    %c0_i32_0 = arith.constant 0 : i32
    return %arg0, %c0_i32 : i32, i32
  }
  func.func @transform_1(%arg0: i32) -> (i32, i32) {
    %c0_i32 = arith.constant 0 : i32
    %c0_i32_0 = arith.constant 0 : i32
    %c0_i32_1 = arith.constant 0 : i32
    return %c0_i32, %c0_i32_0 : i32, i32
  }
  func.func @transform_2(%arg0: i32) -> (i32, i32) {
    %c0_i32 = arith.constant 0 : i32
    %c0_i32_0 = arith.constant 0 : i32
    %c0_i32_1 = arith.constant 0 : i32
    return %c0_i32, %c0_i32_0 : i32, i32
  }
  func.func @transform_3(%arg0: i32) -> (i32, i32) {
    %c0_i32 = arith.constant 0 : i32
    %c0_i32_0 = arith.constant 0 : i32
    %c0_i32_1 = arith.constant 0 : i32
    return %c0_i32, %c0_i32_0 : i32, i32
  }
  func.func @transform_4(%arg0: i32) -> (i32, i32) {
    %c0_i32 = arith.constant 0 : i32
    %c0_i32_0 = arith.constant 0 : i32
    %c0_i32_1 = arith.constant 0 : i32
    return %c0_i32, %c0_i32_0 : i32, i32
  }
  func.func @transform_5(%arg0: i32) -> (i32, i32) {
    %c0_i32 = arith.constant 0 : i32
    %c0_i32_0 = arith.constant 0 : i32
    return %arg0, %c0_i32 : i32, i32
  }
}

module attributes {stable_mosaic.version = 14 : i64} {
  func.func @_edge_prepass_body(%arg0: i32, %arg1: memref<2048x16xf32, #tpu.memory_space<vmem>>, %arg2: memref<128x128xf32, #tpu.memory_space<vmem>>, %arg3: memref<128x128xf32, #tpu.memory_space<vmem>>, %arg4: memref<128x16xf32, #tpu.memory_space<vmem>>, %arg5: memref<2048x16xf32, #tpu.memory_space<vmem>>) attributes {dimension_semantics = [#tpu.dimension_semantics<arbitrary>], iteration_bounds = array<i64: 80>, scalar_prefetch = 0 : i64, scratch_operands = 0 : i64, tpu.core_type = #tpu.core_type<tc>, window_params = [{transform_indices = @transform_0, window_bounds = array<i64: 2048, 16>}, {pipeline_mode = #tpu.pipeline_mode<synchronous>, transform_indices = @transform_1, window_bounds = array<i64: 128, 128>}, {pipeline_mode = #tpu.pipeline_mode<synchronous>, transform_indices = @transform_2, window_bounds = array<i64: 128, 128>}, {pipeline_mode = #tpu.pipeline_mode<synchronous>, transform_indices = @transform_3, window_bounds = array<i64: 128, 16>}, {transform_indices = @transform_4, window_bounds = array<i64: 2048, 16>}]} {
    %get3A = arith.constant 0 : index
    %get3A_0 = arith.constant 0 : index
    %get3A_1 = vector.load %arg1[%get3A, %get3A_0] : memref<2048x16xf32, #tpu.memory_space<vmem>>, vector<2048x16xf32>
    %get3A_2 = arith.constant 0 : index
    %get3A_3 = arith.constant 0 : index
    %get3A_4 = vector.load %arg4[%get3A_2, %get3A_3] : memref<128x16xf32, #tpu.memory_space<vmem>>, vector<128x16xf32>
    %get3A_5 = arith.constant 0 : index
    %get3A_6 = arith.constant 0 : index
    %get3A_7 = vector.load %arg2[%get3A_5, %get3A_6] : memref<128x128xf32, #tpu.memory_space<vmem>>, vector<128x128xf32>
    %dot_general3A = arith.constant dense<0.000000e+00> : vector<128x16xf32>
    %dot_general3A_8 = tpu.matmul %get3A_7, %get3A_4, %dot_general3A {dimension_numbers = #tpu.dot_dimension_numbers<[1], [0], [0], [1], [0, 0, 1, 1], [], []>, transpose_lhs_hint = false} : vector<128x128xf32>, vector<128x16xf32>, vector<128x16xf32> -> vector<128x16xf32>
    %get3A_9 = arith.constant 0 : index
    %get3A_10 = arith.constant 0 : index
    %get3A_11 = vector.load %arg3[%get3A_9, %get3A_10] : memref<128x128xf32, #tpu.memory_space<vmem>>, vector<128x128xf32>
    %dot_general3A_12 = arith.constant dense<0.000000e+00> : vector<128x16xf32>
    %dot_general3A_13 = tpu.matmul %get3A_11, %get3A_4, %dot_general3A_12 {dimension_numbers = #tpu.dot_dimension_numbers<[1], [0], [0], [1], [0, 0, 1, 1], [], []>, transpose_lhs_hint = false} : vector<128x128xf32>, vector<128x16xf32>, vector<128x16xf32> -> vector<128x16xf32>
    %dot_general3A_14 = arith.constant dense<0.000000e+00> : vector<16x16xf32>
    %dot_general3A_15 = tpu.matmul %dot_general3A_8, %dot_general3A_13, %dot_general3A_14 {dimension_numbers = #tpu.dot_dimension_numbers<[0], [0], [1], [1], [0, 1, 1, 1], [], []>, transpose_lhs_hint = false} : vector<128x16xf32>, vector<128x16xf32>, vector<16x16xf32> -> vector<16x16xf32>
    %dot_general3A_16 = arith.constant dense<0.000000e+00> : vector<2048x16xf32>
    %dot_general3A_17 = tpu.matmul %get3A_1, %dot_general3A_15, %dot_general3A_16 {dimension_numbers = #tpu.dot_dimension_numbers<[1], [0], [0], [1], [0, 0, 1, 1], [], []>, transpose_lhs_hint = false} : vector<2048x16xf32>, vector<16x16xf32>, vector<2048x16xf32> -> vector<2048x16xf32>
    %mul3A = arith.mulf %dot_general3A_17, %get3A_1 : vector<2048x16xf32>
    %reduce_sum3A = arith.constant dense<0.000000e+00> : vector<2048xf32>
    %reduce_sum3A_18 = vector.multi_reduction <add>, %mul3A, %reduce_sum3A [1] : vector<2048x16xf32> to vector<2048xf32>
    %broadcast_in_dim3A = vector.shape_cast %reduce_sum3A_18 : vector<2048xf32> to vector<2048x1xf32>
    %slice3A = vector.extract_strided_slice %get3A_1 {offsets = [0, 0], sizes = [2048, 11], strides = [1, 1]} : vector<2048x16xf32> to vector<2048x11xf32>
    %broadcast_in_dim3A_19 = arith.constant 0.000000e+00 : f32
    %broadcast_in_dim3A_20 = vector.broadcast %broadcast_in_dim3A_19 : f32 to vector<2048x1xf32>
    %broadcast_in_dim3A_21 = arith.constant 0.000000e+00 : f32
    %broadcast_in_dim3A_22 = vector.broadcast %broadcast_in_dim3A_21 : f32 to vector<2048x3xf32>
    %concatenate3A = tpu.concatenate %slice3A, %broadcast_in_dim3A_20, %broadcast_in_dim3A, %broadcast_in_dim3A_22 in 1 : vector<2048x11xf32>, vector<2048x1xf32>, vector<2048x1xf32>, vector<2048x3xf32> -> vector<2048x16xf32>
    %swap3A = arith.constant 0 : index
    %swap3A_23 = arith.constant 0 : index
    %swap3A_24 = vector.load %arg5[%swap3A, %swap3A_23] : memref<2048x16xf32, #tpu.memory_space<vmem>>, vector<2048x16xf32>
    tpu.vector_store %arg5[%swap3A, %swap3A_23], %concatenate3A {strides = array<i32>} : memref<2048x16xf32, #tpu.memory_space<vmem>>, vector<2048x16xf32>,
    return
  }
  func.func @transform_0(%arg0: i32) -> (i32, i32) {
    %c0_i32 = arith.constant 0 : i32
    %c0_i32_0 = arith.constant 0 : i32
    return %arg0, %c0_i32 : i32, i32
  }
  func.func @transform_1(%arg0: i32) -> (i32, i32) {
    %c0_i32 = arith.constant 0 : i32
    %c0_i32_0 = arith.constant 0 : i32
    %c0_i32_1 = arith.constant 0 : i32
    return %c0_i32, %c0_i32_0 : i32, i32
  }
  func.func @transform_2(%arg0: i32) -> (i32, i32) {
    %c0_i32 = arith.constant 0 : i32
    %c0_i32_0 = arith.constant 0 : i32
    %c0_i32_1 = arith.constant 0 : i32
    return %c0_i32, %c0_i32_0 : i32, i32
  }
  func.func @transform_3(%arg0: i32) -> (i32, i32) {
    %c0_i32 = arith.constant 0 : i32
    %c0_i32_0 = arith.constant 0 : i32
    %c0_i32_1 = arith.constant 0 : i32
    return %c0_i32, %c0_i32_0 : i32, i32
  }
  func.func @transform_4(%arg0: i32) -> (i32, i32) {
    %c0_i32 = arith.constant 0 : i32
    %c0_i32_0 = arith.constant 0 : i32
    return %arg0, %c0_i32 : i32, i32
  }
}

module attributes {stable_mosaic.version = 14 : i64} {
  func.func @_post_body(%arg0: i32, %arg1: memref<2x400x144xf32, #tpu.memory_space<vmem>>, %arg2: memref<400x128xf32, #tpu.memory_space<vmem>>, %arg3: memref<128x11xf32, #tpu.memory_space<vmem>>, %arg4: memref<128x128xf32, #tpu.memory_space<vmem>>, %arg5: memref<1x128xf32, #tpu.memory_space<vmem>>, %arg6: memref<1x128xf32, #tpu.memory_space<vmem>>, %arg7: memref<400x128xf32, #tpu.memory_space<vmem>>) attributes {dimension_semantics = [#tpu.dimension_semantics<arbitrary>], iteration_bounds = array<i64: 25>, scalar_prefetch = 0 : i64, scratch_operands = 0 : i64, tpu.core_type = #tpu.core_type<tc>, window_params = [{transform_indices = @transform_0, window_bounds = array<i64: 2, 400, 144>}, {transform_indices = @transform_1, window_bounds = array<i64: 400, 128>}, {pipeline_mode = #tpu.pipeline_mode<synchronous>, transform_indices = @transform_2, window_bounds = array<i64: 128, 11>}, {pipeline_mode = #tpu.pipeline_mode<synchronous>, transform_indices = @transform_3, window_bounds = array<i64: 128, 128>}, {pipeline_mode = #tpu.pipeline_mode<synchronous>, transform_indices = @transform_4, window_bounds = array<i64: 1, 128>}, {pipeline_mode = #tpu.pipeline_mode<synchronous>, transform_indices = @transform_5, window_bounds = array<i64: 1, 128>}, {transform_indices = @transform_6, window_bounds = array<i64: 400, 128>}]} {
    %get3A = arith.constant 0 : index
    %get3A_0 = arith.constant 0 : index
    %get3A_1 = arith.constant 0 : index
    %get3A_2 = vector.load %arg1[%get3A, %get3A_0, %get3A_1] : memref<2x400x144xf32, #tpu.memory_space<vmem>>, vector<1x400x144xf32>
    %get3A_3 = vector.shape_cast %get3A_2 : vector<1x400x144xf32> to vector<400x144xf32>
    %get3A_4 = arith.constant 1 : index
    %get3A_5 = arith.constant 0 : index
    %get3A_6 = arith.constant 0 : index
    %get3A_7 = vector.load %arg1[%get3A_4, %get3A_5, %get3A_6] : memref<2x400x144xf32, #tpu.memory_space<vmem>>, vector<1x400x144xf32>
    %get3A_8 = vector.shape_cast %get3A_7 : vector<1x400x144xf32> to vector<400x144xf32>
    %add3A = arith.addf %get3A_3, %get3A_8 : vector<400x144xf32>
    %slice3A = vector.extract_strided_slice %add3A {offsets = [0, 0], sizes = [400, 128], strides = [1, 1]} : vector<400x144xf32> to vector<400x128xf32>
    %slice3A_9 = vector.extract_strided_slice %add3A {offsets = [0, 128], sizes = [400, 1], strides = [1, 1]} : vector<400x144xf32> to vector<400x1xf32>
    %slice3A_10 = vector.extract_strided_slice %add3A {offsets = [0, 129], sizes = [400, 1], strides = [1, 1]} : vector<400x144xf32> to vector<400x1xf32>
    %slice3A_11 = vector.extract_strided_slice %add3A {offsets = [0, 130], sizes = [400, 11], strides = [1, 1]} : vector<400x144xf32> to vector<400x11xf32>
    %get3A_12 = arith.constant 0 : index
    %get3A_13 = arith.constant 0 : index
    %get3A_14 = vector.load %arg2[%get3A_12, %get3A_13] : memref<400x128xf32, #tpu.memory_space<vmem>>, vector<400x128xf32>
    %get3A_15 = arith.constant 0 : index
    %get3A_16 = arith.constant 0 : index
    %get3A_17 = vector.load %arg3[%get3A_15, %get3A_16] : memref<128x11xf32, #tpu.memory_space<vmem>>, vector<128x11xf32>
    %dot_general3A = arith.constant dense<0.000000e+00> : vector<400x128xf32>
    %dot_general3A_18 = tpu.matmul %slice3A_11, %get3A_17, %dot_general3A {dimension_numbers = #tpu.dot_dimension_numbers<[1], [1], [0], [0], [0, 0, 1, 0], [], []>, transpose_lhs_hint = false} : vector<400x11xf32>, vector<128x11xf32>, vector<400x128xf32> -> vector<400x128xf32>
    %mul3A = vector.broadcast %slice3A_9 : vector<400x1xf32> to vector<400x128xf32>
    %mul3A_19 = arith.mulf %mul3A, %get3A_14 : vector<400x128xf32>
    %add3A_20 = arith.addf %slice3A, %mul3A_19 : vector<400x128xf32>
    %add3A_21 = arith.addf %add3A_20, %dot_general3A_18 : vector<400x128xf32>
    %max3A = arith.constant 1.000000e+00 : f32
    %max3A_22 = vector.broadcast %max3A : f32 to vector<400x1xf32>
    %max3A_23 = arith.maximumf %slice3A_10, %max3A_22 : vector<400x1xf32>
    %div3A = arith.constant 1.000000e+00 : f32
    %div3A_24 = vector.broadcast %div3A : f32 to vector<400x1xf32>
    %div3A_25 = arith.divf %div3A_24, %max3A_23 : vector<400x1xf32>
    %mul3A_26 = vector.broadcast %div3A_25 : vector<400x1xf32> to vector<400x128xf32>
    %mul3A_27 = arith.mulf %add3A_21, %mul3A_26 : vector<400x128xf32>
    %get3A_28 = arith.constant 0 : index
    %get3A_29 = arith.constant 0 : index
    %get3A_30 = vector.load %arg4[%get3A_28, %get3A_29] : memref<128x128xf32, #tpu.memory_space<vmem>>, vector<128x128xf32>
    %dot_general3A_31 = arith.constant dense<0.000000e+00> : vector<400x128xf32>
    %dot_general3A_32 = tpu.matmul %mul3A_27, %get3A_30, %dot_general3A_31 {dimension_numbers = #tpu.dot_dimension_numbers<[1], [1], [0], [0], [0, 0, 1, 0], [], []>, transpose_lhs_hint = false} : vector<400x128xf32>, vector<128x128xf32>, vector<400x128xf32> -> vector<400x128xf32>
    %max3A_33 = arith.constant 0.000000e+00 : f32
    %max3A_34 = vector.broadcast %max3A_33 : f32 to vector<400x128xf32>
    %max3A_35 = arith.maximumf %dot_general3A_32, %max3A_34 : vector<400x128xf32>
    %reduce_sum3A = arith.constant dense<0.000000e+00> : vector<400xf32>
    %reduce_sum3A_36 = vector.multi_reduction <add>, %max3A_35, %reduce_sum3A [1] : vector<400x128xf32> to vector<400xf32>
    %broadcast_in_dim3A = vector.shape_cast %reduce_sum3A_36 : vector<400xf32> to vector<400x1xf32>
    %div3A_37 = arith.constant 1.280000e+02 : f32
    %div3A_38 = vector.broadcast %div3A_37 : f32 to vector<400x1xf32>
    %div3A_39 = arith.divf %broadcast_in_dim3A, %div3A_38 : vector<400x1xf32>
    %sub3A = vector.broadcast %div3A_39 : vector<400x1xf32> to vector<400x128xf32>
    %sub3A_40 = arith.subf %max3A_35, %sub3A : vector<400x128xf32>
    %integer_pow3A = arith.mulf %sub3A_40, %sub3A_40 : vector<400x128xf32>
    %reduce_sum3A_41 = arith.constant dense<0.000000e+00> : vector<400xf32>
    %reduce_sum3A_42 = vector.multi_reduction <add>, %integer_pow3A, %reduce_sum3A_41 [1] : vector<400x128xf32> to vector<400xf32>
    %broadcast_in_dim3A_43 = vector.shape_cast %reduce_sum3A_42 : vector<400xf32> to vector<400x1xf32>
    %div3A_44 = arith.constant 1.280000e+02 : f32
    %div3A_45 = vector.broadcast %div3A_44 : f32 to vector<400x1xf32>
    %div3A_46 = arith.divf %broadcast_in_dim3A_43, %div3A_45 : vector<400x1xf32>
    %sub3A_47 = vector.broadcast %div3A_39 : vector<400x1xf32> to vector<400x128xf32>
    %sub3A_48 = arith.subf %max3A_35, %sub3A_47 : vector<400x128xf32>
    %add3A_49 = arith.constant 9.99999974E-6 : f32
    %add3A_50 = vector.broadcast %add3A_49 : f32 to vector<400x1xf32>
    %add3A_51 = arith.addf %div3A_46, %add3A_50 : vector<400x1xf32>
    %rsqrt3A = math.rsqrt %add3A_51 : vector<400x1xf32>
    %mul3A_52 = vector.broadcast %rsqrt3A : vector<400x1xf32> to vector<400x128xf32>
    %mul3A_53 = arith.mulf %sub3A_48, %mul3A_52 : vector<400x128xf32>
    %get3A_54 = arith.constant 0 : index
    %get3A_55 = arith.constant 0 : index
    %get3A_56 = vector.load %arg5[%get3A_54, %get3A_55] : memref<1x128xf32, #tpu.memory_space<vmem>>, vector<1x128xf32>
    %mul3A_57 = vector.broadcast %get3A_56 : vector<1x128xf32> to vector<400x128xf32>
    %mul3A_58 = arith.mulf %mul3A_53, %mul3A_57 : vector<400x128xf32>
    %get3A_59 = arith.constant 0 : index
    %get3A_60 = arith.constant 0 : index
    %get3A_61 = vector.load %arg6[%get3A_59, %get3A_60] : memref<1x128xf32, #tpu.memory_space<vmem>>, vector<1x128xf32>
    %add3A_62 = vector.broadcast %get3A_61 : vector<1x128xf32> to vector<400x128xf32>
    %add3A_63 = arith.addf %mul3A_58, %add3A_62 : vector<400x128xf32>
    %swap3A = arith.constant 0 : index
    %swap3A_64 = arith.constant 0 : index
    %swap3A_65 = vector.load %arg7[%swap3A, %swap3A_64] : memref<400x128xf32, #tpu.memory_space<vmem>>, vector<400x128xf32>
    tpu.vector_store %arg7[%swap3A, %swap3A_64], %add3A_63 {strides = array<i32>} : memref<400x128xf32, #tpu.memory_space<vmem>>, vector<400x128xf32>,
    return
  }
  func.func @transform_0(%arg0: i32) -> (i32, i32, i32) {
    %c0_i32 = arith.constant 0 : i32
    %c0_i32_0 = arith.constant 0 : i32
    %c0_i32_1 = arith.constant 0 : i32
    return %c0_i32, %arg0, %c0_i32_0 : i32, i32, i32
  }
  func.func @transform_1(%arg0: i32) -> (i32, i32) {
    %c0_i32 = arith.constant 0 : i32
    %c0_i32_0 = arith.constant 0 : i32
    return %arg0, %c0_i32 : i32, i32
  }
  func.func @transform_2(%arg0: i32) -> (i32, i32) {
    %c0_i32 = arith.constant 0 : i32
    %c0_i32_0 = arith.constant 0 : i32
    %c0_i32_1 = arith.constant 0 : i32
    return %c0_i32, %c0_i32_0 : i32, i32
  }
  func.func @transform_3(%arg0: i32) -> (i32, i32) {
    %c0_i32 = arith.constant 0 : i32
    %c0_i32_0 = arith.constant 0 : i32
    %c0_i32_1 = arith.constant 0 : i32
    return %c0_i32, %c0_i32_0 : i32, i32
  }
  func.func @transform_4(%arg0: i32) -> (i32, i32) {
    %c0_i32 = arith.constant 0 : i32
    %c0_i32_0 = arith.constant 0 : i32
    %c0_i32_1 = arith.constant 0 : i32
    return %c0_i32, %c0_i32_0 : i32, i32
  }
  func.func @transform_5(%arg0: i32) -> (i32, i32) {
    %c0_i32 = arith.constant 0 : i32
    %c0_i32_0 = arith.constant 0 : i32
    %c0_i32_1 = arith.constant 0 : i32
    return %c0_i32, %c0_i32_0 : i32, i32
  }
  func.func @transform_6(%arg0: i32) -> (i32, i32) {
    %c0_i32 = arith.constant 0 : i32
    %c0_i32_0 = arith.constant 0 : i32
    return %arg0, %c0_i32 : i32, i32
  }
}

</mosaic_0001>

<sc_bundles>
// kernel: kernel.6.cloned.1.call-start
scs
__scs_entry_jumppad:
0x0: {  	(pc) =	sbr.rel $0x88, $3  }
0x1: {  	(tag) =	ssettag $0x0;
	lr =	simm.s32 $0x1  }
0x2: {  	[smem:$0x3F97] =	sst lr;
	_ =	strace $0xD0000000  }
0x3: {  	_ = 	snop  }
0x4: {  	_ = 	snop  }
0x5: {  	_ = 	snop  }
0x6: {  	_ = 	snop  }
0x7: {  	_ = 	snop  }
__scs_overlays_trampoline_lowered:
0x8: {  	[smem:$0x3FA6] =	sst s0  }
0x9: {  	[smem:$0x3FA7] =	sst s1  }
0xa: {  	[smem:$0x3FA8] =	sst s2  }
0xb: {  	[smem:$0x3FA9] =	sst s3  }
0xc: {  	[smem:$0x3FAA] =	sst s4  }
0xd: {  	[smem:$0x3FAB] =	sst s5  }
0xe: {  	[smem:$0x3FAC] =	sst s6  }
0xf: {  	[smem:$0x3FAD] =	sst s7  }
0x10: {  	[smem:$0x3FAE] =	sst s8  }
0x11: {  	[smem:$0x3FAF] =	sst s9;
	s0 =	simm.s32 @!p0 $0x0  }
0x12: {  	s1 =	sld [smem:$0x3F95];
	s0 =	simm.s32 @p0 $0x1  }
0x13: {  	[smem:$0x3FB0] =	sst s0;
	s0 =	simm.s32 @!p1 $0x0  }
0x14: {  	s2 =	sld [smem:$0x3F94];
	s0 =	simm.s32 @p1 $0x1  }
0x15: {  	[smem:$0x3FB1] =	sst s0;
	s0 =	simm.s32 @!p2 $0x0  }
0x16: {  	s3 =	sld [smem:$0x3FDB];
	s0 =	simm.s32 @p2 $0x1  }
0x17: {  	s4 =	simm.s32 $0x1BF5;
	[smem:$0x3FB3] =	sst s0  }
0x18: {  	s0 =	sld [smem:$0x3F96];
	_ =	swait.ge [sflag:s4], $0x0  }
0x19: {  	s7 =	sld [smem:$0x3F97]  }
0x1a: {  	s8 =	sadd.s32 $0xFFFFE003, lr  }
0x1b: {  	s9 =	sadd.s32 $0xFFFFFEF7, lr;
	s5 =	simm.s32 $0xFFFFFFFF;
	p2 =	slt.u32 s8, $0xFFFFF086  }
0x1c: {  	p1 =	slt.u32 s9, $0xF7A;
	s5 =	simm.s32 @!p2 $0x0  }
0x1d: {  	s5 =	simm.s32 @p1 $0x1;
	p0 =	seq.s32 s7, s2  }
0x1e: {  	s7 =	smul.u32 @!p0 $0xF7A, s2;
	p2 =	seq.s32 @!p0 s5, $0x0  }
0x1f: {  	s9 =	smul.u32 $0xF7A, s1;
	s8 =	simm.s32 @!p0 $0x1BF5;
	p2 =	por !p2, p0  }
0x20: {  	[sflag:s8] =	ssyncset.s32 @!p0 $0xFFFFF086;
	s6 =	sadd.s32 @!p0 s3, s7;
	s7 =	simm.s32 @!p0 $0x108  }
0x21: {  	s3 =	sadd.s32 s3, s9;
	s6 =	sadd.s32 @!p0 $0x88, s6;
	s7 =	simm.s32 @p2 $0x1082  }
0x22: {  	[simem:s7], [sflag:s8] =	dma.local @!p0 [hbm:s6], $0xF7A  }
0x23: {  	s9 =	sor.u32 $0xD0000000, s2;
	s6 =	simm.s32 $0x108;
	_ =	swait.ge @!p0 [sflag:s8], $0x0  }
0x24: {  	s3 =	sadd.s32 $0x88, s3;
	s6 =	simm.s32 @!p1 $0x1082;
	[sflag:s4] =	ssyncset.s32 $0xFFFFF086  }
0x25: {  	[simem:s6], [sflag:s4] =	dma.local [hbm:s3], $0xF7A  }
0x26: {  	[smem:$0x3F97] =	sst s1;
	(tag) =	ssettag s2;
	_ =	strace s9  }
0x27: {  	s1 =	sld [smem:$0x3FA7]  }
0x28: {  	s2 =	sld [smem:$0x3FA8]  }
0x29: {  	s4 =	sld [smem:$0x3FAA]  }
0x2a: {  	p0 =	seq.s32 s5, $0x0;
	s5 =	sld [smem:$0x3FAB]  }
0x2b: {  	s6 =	sld [smem:$0x3FAC]  }
0x2c: {  	s7 =	sld [smem:$0x3FAD]  }
0x2d: {  	s3 =	simm.s32 $0x108;
	s8 =	sld [smem:$0x3FAE]  }
0x2e: {  	s3 =	simm.s32 @!p0 $0x1082;
	s9 =	sld [smem:$0x3FAF]  }
0x2f: {  	lr =	sadd.s32 s0, s3;
	s0 =	sld [smem:$0x3FA6]  }
0x30: {  	s3 =	sld [smem:$0x3FA9]  }
0x31: {  	[smem:$0x3FB2] =	sst s10  }
0x32: {  	s10 =	sld [smem:$0x3FB0];
	_ =	sdelay $0x3  }
0x33: {  	p0 =	seq.s32 s10, $0x1;
	s10 =	sld [smem:$0x3FB2];
	_ =	sdelay $0x3  }
0x34: {  	[smem:$0x3FB2] =	sst s10  }
0x35: {  	s10 =	sld [smem:$0x3FB1];
	_ =	sdelay $0x3  }
0x36: {  	p1 =	seq.s32 s10, $0x1;
	s10 =	sld [smem:$0x3FB2];
	_ =	sdelay $0x3  }
0x37: {  	[smem:$0x3FB2] =	sst s10  }
0x38: {  	s10 =	sld [smem:$0x3FB3]  }
0x39: {  	_ = 	snop;
	(pc) =	sbr.ind lr, $3  }
0x3a: {  	_ = 	snop  }
0x3b: {  	_ = 	snop  }
0x3c: {  	p2 =	seq.s32 s10, $0x1;
	s10 =	sld [smem:$0x3FB2]  }
0x3d: {  	_ =	shalt  }
0x3e: {  	_ =	shalt  }
0x3f: {  	_ =	shalt  }
0x40: {  	_ =	shalt  }
0x41: {  	_ =	shalt  }
0x42: {  	_ =	shalt  }
0x43: {  	_ =	shalt  }
0x44: {  	_ =	shalt  }
0x45: {  	_ =	shalt  }
0x46: {  	_ =	shalt  }
0x47: {  	_ =	shalt  }
0x48: {  	_ =	shalt  }
0x49: {  	_ =	shalt  }
0x4a: {  	_ =	shalt  }
0x4b: {  	_ =	shalt  }
0x4c: {  	_ =	shalt  }
0x4d: {  	_ =	shalt  }
0x4e: {  	_ =	shalt  }
0x4f: {  	_ =	shalt  }
0x50: {  	_ =	shalt  }
0x51: {  	_ =	shalt  }
0x52: {  	_ =	shalt  }
0x53: {  	_ =	shalt  }
0x54: {  	_ =	shalt  }
0x55: {  	_ =	shalt  }
0x56: {  	_ =	shalt  }
0x57: {  	_ =	shalt  }
0x58: {  	_ =	shalt  }
0x59: {  	_ =	shalt  }
0x5a: {  	_ =	shalt  }
0x5b: {  	_ =	shalt  }
0x5c: {  	_ =	shalt  }
0x5d: {  	_ =	shalt  }
0x5e: {  	_ =	shalt  }
0x5f: {  	_ =	shalt  }
0x60: {  	_ =	shalt  }
0x61: {  	_ =	shalt  }
0x62: {  	_ =	shalt  }
0x63: {  	_ =	shalt  }
0x64: {  	_ =	shalt  }
0x65: {  	_ =	shalt  }
0x66: {  	_ =	shalt  }
0x67: {  	_ =	shalt  }
0x68: {  	_ =	shalt  }
0x69: {  	_ =	shalt  }
0x6a: {  	_ =	shalt  }
0x6b: {  	_ =	shalt  }
0x6c: {  	_ =	shalt  }
0x6d: {  	_ =	shalt  }
0x6e: {  	_ =	shalt  }
0x6f: {  	_ =	shalt  }
0x70: {  	_ =	shalt  }
0x71: {  	_ =	shalt  }
0x72: {  	_ =	shalt  }
0x73: {  	_ =	shalt  }
0x74: {  	_ =	shalt  }
0x75: {  	_ =	shalt  }
0x76: {  	_ =	shalt  }
0x77: {  	_ =	shalt  }
0x78: {  	_ =	shalt  }
0x79: {  	_ =	shalt  }
0x7a: {  	_ =	shalt  }
0x7b: {  	_ =	shalt  }
0x7c: {  	_ =	shalt  }
0x7d: {  	_ =	shalt  }
0x7e: {  	_ =	shalt  }
0x7f: {  	_ =	shalt  }
0x80: {  	_ =	shalt  }
0x81: {  	_ =	shalt  }
0x82: {  	_ =	shalt  }
0x83: {  	_ =	shalt  }
0x84: {  	_ =	shalt  }
0x85: {  	_ =	shalt  }
0x86: {  	_ =	shalt  }
0x87: {  	_ =	shalt  }
.Lfunc_end0:
.L_simem_size_0:
called_computation_lowered:
.L_overlay_start_0:
0x88: {  	s2 =	sld [smem:$0x3FD9]  }
0x89: {  	s3 =	sld [smem:$0x3FFE];
	_ =	sdelay $0x1  }
0x8a: {  	s1 =	srdreg.scid  }
0x8b: {  	s0 =	sand.u32 $0x1, s1  }
0x8c: {  	s17 =	sshll.u32 s0, $0xA;
	s2 =	sadd.s32 s3, s2  }
0x8d: {  	s2 =	sadd.s32 s2, s17  }
0x8e: {  	[smem:$0x3FBE] =	sst s2  }
0x8f: {  	_ = 	snop  }
0x90: {  	s2 =	sld [smem:$0x3FD0];
	(tm) =	ssettm $0x1  }
0x91: {  	s18 =	sld [smem:$0x3FFB];
	_ =	sdelay $0x3  }
0x92: {  	_ =	strace s18  }
0x93: {  	s3 =	sld [smem:$0x3FFC];
	_ =	sdelay $0x3  }
0x94: {  	_ =	strace s3  }
0x95: {  	s3 =	sld [smem:$0x3FFD];
	_ =	sdelay $0x3  }
0x96: {  	_ =	strace s3  }
0x97: {  	_ =	strace $0x8FFFFFFF  }
0x98: {  	s19 =	sld [smem:$0x3FDB];
	_ =	sdelay $0x1  }
0x99: {  	s4 =	simm.s32 $_scs_section_size  }
0x9a: {  	s5 =	simm.s32 $_size__tile_overlayer_lowered;
	s6 =	simm.s32 $_tile_overlayer_lowered  }
0x9b: {  	s22 =	simm.s32 $0x1BFF;
	s21 =	sshll.u32 s6, $0x1;
	s3 =	sadd.s32 s4, s19  }
0x9c: {  	s7 =	simm.s32 $0x0;
	s20 =	sshll.u32 s5, $0x1;
	s5 =	sadd.s32 s21, s3  }
0x9d: {  	[timem:s7], [sflag:s22] =	dma.local [hbm:s5], s20  }
0x9e: {  	_ =	swait.ge [sflag:s22], s20  }
0x9f: {  	s4 =	ssub.s32 $0x0, s20;
	[sflag:s22] =	ssyncset.done $0x0  }
0xa0: {  	[sflag:s22] =	ssyncadd.s32 s4;
	_ =	sdelay $0x1  }
0xa1: {  	s23 =	simm.s32 $0x1B8B  }
0xa2: {  	_ =	swait.ge [sflag:s23], $0x1  }
0xa3: {  	[sflag:s23] =	ssyncset.done $0x0  }
0xa4: {  	s25 =	simm.s32 $0x1B8E;
	s24 =	sld [smem:$0x3FFE];
	[sflag:s23] =	ssyncadd.s32 $0xFFFFFFFF  }
0xa5: {  	s26 =	simm.s32 $execute0_lowered;
	[smem:$0x3FD2] =	sst s25  }
0xa6: {  	s5 =	sshll.u32 s26, $0x1;
	_ =	strace $0x80000046;
	[dreg:$0x1] =	wrdreg $0xFFFFFFFF  }
0xa7: {  	s28 =	simm.s32 $_size_execute0_lowered;
	s3 =	sadd.s32 s3, s5;
	[dreg:$0x0] =	wrdreg $0x0  }
0xa8: {  	s5 =	sshll.u32 s28, $0x1;
	[dreg:$0x2] =	wrdreg s3  }
0xa9: {  	[dreg:$0x3] =	wrdreg s5  }
0xaa: {  	[dreg:$0x4] =	wrdreg $0xC0  }
0xab: {  	_ =	task [dreg:s7], $0x5FFFF  }
0xac: {  	[dreg:$0x1] =	wrdreg $0xFFFFFFFF  }
0xad: {  	[dreg:$0x0] =	wrdreg $0x60  }
0xae: {  	[dreg:$0x2] =	wrdreg s24  }
0xaf: {  	[dreg:$0x3] =	wrdreg s2  }
0xb0: {  	[dreg:$0x4] =	wrdreg $0x6B000  }
0xb1: {  	[dreg:$0x5] =	wrdreg $0x9  }
0xb2: {  	_ =	task.clear_ibuf [dreg:s7], $0x6FFFF;
	_ =	strace $0x90000046  }
0xb3: {  	s29 =	simm.s32 $0x9;
	_ =	strace $0x80000048  }
0xb4: {  	_ =	swait.ge [sflag:s29], $0x1  }
0xb5: {  	[sflag:s29] =	ssyncadd.s32 $0xFFFFFFFF  }
0xb6: {  	_ =	strace $0x90000048  }
0xb7: {  	_ =	sfence  }
0xb8: {  	s30 =	sld [smem:$0x0];
	_ =	sdelay $0x2  }
0xb9: {  	s31 =	sshll.u32 s1, $0xD;
	s1 =	sshrl.u32 s1, $0x2  }
0xba: {  	s3 =	sand.u32 $0x4000, s31;
	s1 =	sadd.s32 s1, s30  }
0xbb: {  	s0 =	sor.u32 s3, s0;
	s1 =	sshll.u32 s1, $0x11  }
0xbc: {  	s0 =	sor.u32 s1, s0  }
0xbd: {  	s0 =	sadd.s32 $0x8F2B, s0  }
0xbe: {  	[sflag:s0] =	ssyncadd.remote.s32 $0x1  }
0xbf: {  	_ =	sfence.sel $0xFFFF  }
0xc0: {  	[dreg:$0x0] =	wrdreg $0xFFFFFFFF;
	(pc) =	sbr.abs _section_cstart, $3  }
0xc1: {  	[dreg:$0x1] =	wrdreg $0xFFFFFFFF  }
0xc2: {  	_ =	task.clear_ibuf [dreg:s7], $0x2FFFF;
	_ =	strace $0x9FFFFFFF  }
0xc3: {  	(tm) =	ssettm $0x7FFFFFFF  }
tec
execute0_lowered:
.L_overlay_start_1:
0x0: {  	(tag) =	ssettag $0x1  }
0x1: {  	s0 =	rddreg [dreg:$0x0]  }
0x2: {  	s2 =	rddreg [dreg:$0x1]  }
0x3: {  	s1 =	rddreg [dreg:$0x2];
	s3 =	simm.s32 $0x0;
	s4 =	srdreg.scid  }
0x4: {  	s12 =	stileid.u32;
	s28 =	simm.s32 $0x3E80;
	s29 =	simm.s32 $0x1  }
0x5: {  	s30 =	simm.s32 $0x5480;
	s31 =	simm.s32 $0x2;
	s9 =	smul.u32 $0x16800, s12  }
0x6: {  	[smem:$0x7FF] =	sst s3;
	s5 =	sand.u32 $0x1, s4;
	s11 =	smul.u32 $0x1400, s12  }
0x7: {  	s4 =	sadd.s32 $0x79000, s0;
	s13 =	sadd.s32 $0xA9E00, s0;
	s6 =	smul.u32 $0x168000, s5  }
0x8: {  	s7 =	sshll.u32 s5, $0x4;
	s10 =	ssub.s32 $0x2, s5;
	s5 =	smul.u32 $0x14000, s5  }
0x9: {  	s14 =	sadd.s32 $0xF9E00, s0;
	s7 =	sor.u32 s12, s7;
	s12 =	smul.u32 $0x5A000, s12  }
0xa: {  	_ =	strace $0x80000047;
	s17 =	sshrl.u32 s10, $0x1;
	s8 =	smul.u32 $0x1400, s7  }
0xb: {  	s21 =	sadd.s32 s9, s1;
	s6 =	sadd.s32 s9, s6;
	s7 =	smul.u32 $0x2800, s7  }
0xc: {  	s10 =	ssub.s32 s10, s17;
	s20 =	sadd.s32 s11, s5;
	s17 =	simm.s32 $0x3  }
0xd: {  	s6 =	sshrl.u32 s6, $0x3;
	s22 =	sshrl.u32 s12, $0x2;
	s23 =	sor.u32 $0x40, s20  }
0xe: {  	s24 =	smax.u32 s10, $0x1;
	s0 =	sadd.s32 s6, s0;
	s18 =	sshrl.u32 s8, $0x3  }
0xf: {  	s19 =	sadd.s32 s13, s7;
	[dreg:$0x9] =	wrdreg s24;
	s10 =	sadd.s32 s22, s1  }
0x10: {  	s15 =	sshrl.u32 s23, $0x3;
	s25 =	sshll.u32 s23, $0x1;
	s22 =	simm.s32 $0x2A40  }
0x11: {  	s23 =	simm.s32 $0x2A60;
	s24 =	simm.s32 $0x5280;
	s8 =	sadd.s32 s2, s18  }
0x12: {  	s6 =	sadd.s32 s14, s18;
	[dreg:$0x7] =	wrdreg s19;
	s0 =	sadd.s32 $0xFEE00, s0  }
0x13: {  	s26 =	sadd.s32 s15, s14;
	s11 =	sadd.s32 s25, s13;
	[dreg:$0x5] =	wrdreg s8  }
0x14: {  	s12 =	sadd.s32 s15, s2;
	s18 =	simm.s32 $0x20;
	[dreg:$0x6] =	wrdreg s6  }
0x15: {  	s25 =	sshrl.u32 s21, $0x3;
	[dreg:$0x8] =	wrdreg s0;
	s0 =	sor.u32 $0x20, s20  }
0x16: {  	[dreg:$0x4] =	wrdreg s26;
	s16 =	sshll.u32 s0, $0x1;
	s0 =	sshrl.u32 s0, $0x3  }
0x17: {  	s26 =	simm.s32 $0x2A80;
	s13 =	sadd.s32 s16, s13;
	s14 =	sadd.s32 s0, s14  }
0x18: {  	v0 =	vimm.f32 $0.0e+00;
	s15 =	sadd.s32 s0, s2;
	s16 =	simm.s32 $0x6680;
	s0 =	simm.s32 $0x0  }
.LBB2_1:
0x19: {  	[tilespmem:$0x6680] =	vst v0  }
0x1a: {  	[tilespmem:$0x6690] =	vst v0  }
0x1b: {  	[tilespmem:$0x66A0] =	vst v0  }
0x1c: {  	[tilespmem:$0x66B0] =	vst v0  }
0x1d: {  	[tilespmem:$0x66C0] =	vst v0  }
0x1e: {  	[tilespmem:$0x66D0] =	vst v0  }
0x1f: {  	[tilespmem:$0x66E0] =	vst v0  }
0x20: {  	[tilespmem:$0x66F0] =	vst v0  }
0x21: {  	[tilespmem:$0x6700] =	vst v0  }
0x22: {  	[tilespmem:$0x6710] =	vst v0  }
0x23: {  	[tilespmem:$0x6720] =	vst v0  }
0x24: {  	[tilespmem:$0x6730] =	vst v0  }
0x25: {  	[tilespmem:$0x6740] =	vst v0  }
0x26: {  	[tilespmem:$0x6750] =	vst v0  }
0x27: {  	[tilespmem:$0x6760] =	vst v0  }
0x28: {  	[tilespmem:$0x6770] =	vst v0  }
0x29: {  	[tilespmem:$0x6780] =	vst v0  }
0x2a: {  	[tilespmem:$0x6790] =	vst v0  }
0x2b: {  	[tilespmem:$0x67A0] =	vst v0  }
0x2c: {  	[tilespmem:$0x67B0] =	vst v0  }
0x2d: {  	[tilespmem:$0x67C0] =	vst v0  }
0x2e: {  	[tilespmem:$0x67D0] =	vst v0  }
0x2f: {  	[tilespmem:$0x67E0] =	vst v0  }
0x30: {  	[tilespmem:$0x67F0] =	vst v0  }
0x31: {  	[tilespmem:$0x6800] =	vst v0  }
0x32: {  	[tilespmem:$0x6810] =	vst v0  }
0x33: {  	[tilespmem:$0x6820] =	vst v0  }
0x34: {  	[tilespmem:$0x6830] =	vst v0  }
0x35: {  	[tilespmem:$0x6840] =	vst v0  }
0x36: {  	[tilespmem:$0x6850] =	vst v0  }
0x37: {  	[tilespmem:$0x6860] =	vst v0  }
0x38: {  	[tilespmem:$0x6870] =	vst v0  }
0x39: {  	[tilespmem:$0x6880] =	vst v0  }
0x3a: {  	[tilespmem:$0x6890] =	vst v0  }
0x3b: {  	[tilespmem:$0x68A0] =	vst v0  }
0x3c: {  	[tilespmem:$0x68B0] =	vst v0  }
0x3d: {  	[tilespmem:$0x68C0] =	vst v0  }
0x3e: {  	[tilespmem:$0x68D0] =	vst v0  }
0x3f: {  	[tilespmem:$0x68E0] =	vst v0  }
0x40: {  	[tilespmem:$0x68F0] =	vst v0  }
0x41: {  	[tilespmem:$0x6900] =	vst v0  }
0x42: {  	[tilespmem:$0x6910] =	vst v0  }
0x43: {  	[tilespmem:$0x6920] =	vst v0  }
0x44: {  	[tilespmem:$0x6930] =	vst v0  }
0x45: {  	[tilespmem:$0x6940] =	vst v0  }
0x46: {  	[tilespmem:$0x6950] =	vst v0  }
0x47: {  	[tilespmem:$0x6960] =	vst v0  }
0x48: {  	[tilespmem:$0x6970] =	vst v0  }
0x49: {  	[tilespmem:$0x6980] =	vst v0  }
0x4a: {  	[tilespmem:$0x6990] =	vst v0  }
0x4b: {  	[tilespmem:$0x69A0] =	vst v0  }
0x4c: {  	[tilespmem:$0x69B0] =	vst v0  }
0x4d: {  	[tilespmem:$0x69C0] =	vst v0  }
0x4e: {  	[tilespmem:$0x69D0] =	vst v0  }
0x4f: {  	[tilespmem:$0x69E0] =	vst v0  }
0x50: {  	[tilespmem:$0x69F0] =	vst v0  }
0x51: {  	[tilespmem:$0x6A00] =	vst v0  }
0x52: {  	[tilespmem:$0x6A10] =	vst v0  }
0x53: {  	[tilespmem:$0x6A20] =	vst v0  }
0x54: {  	[tilespmem:$0x6A30] =	vst v0  }
0x55: {  	[tilespmem:$0x6A40] =	vst v0  }
0x56: {  	[tilespmem:$0x6A50] =	vst v0  }
0x57: {  	[tilespmem:$0x6A60] =	vst v0  }
0x58: {  	[tilespmem:$0x6A70] =	vst v0  }
0x59: {  	[tilespmem:$0x6A80] =	vst v0  }
0x5a: {  	[tilespmem:$0x6A90] =	vst v0  }
0x5b: {  	[tilespmem:$0x6AA0] =	vst v0  }
0x5c: {  	[tilespmem:$0x6AB0] =	vst v0  }
0x5d: {  	[tilespmem:$0x6AC0] =	vst v0  }
0x5e: {  	[tilespmem:$0x6AD0] =	vst v0  }
0x5f: {  	[tilespmem:$0x6AE0] =	vst v0  }
0x60: {  	[tilespmem:$0x6AF0] =	vst v0;
	s2 =	sadd.s32 $0x0, s10  }
0x61: {  	[spmem:s2] =	stream.linear.scatter [tilespmem:s16], [sflag:$0x3], $0x480, $0x38;
	[tilespmem:$0x1D300] =	vst v63  }
0x62: {  	s2 =	simm.s32 $0x1200;
	_ =	swait.ge [sflag:s17], $0x480  }
.LBB2_2:
0x63: {  	s5 =	sshra.s32 s2, $0x2;
	[sflag:s17] =	ssyncset.done $0x0;
	p0 =	sne.s32 s2, $0x58E00  }
.Ltmp0:
0x64: {  	s5 =	sadd.s32 s5, s10;
	[sflag:s17] =	ssyncadd.s32 $0xFFFFFB80;
	(pc) =	sbr.rel @p0 .LBB2_2-.Ltmp0, $3  }
0x65: {  	[spmem:s5] =	stream.linear.scatter [tilespmem:s16], [sflag:$0x3], $0x480, $0x38;
	[tilespmem:$0x1D300] =	vst v63  }
0x66: {  	s2 =	sadd.s32 $0x1200, s2;
	_ =	sdelay $0x1  }
0x67: {  	_ =	swait.ge [sflag:s17], $0x480  }
0x68: {  	[sflag:s17] =	ssyncset.done $0x0  }
0x69: {  	[sflag:s17] =	ssyncadd.s32 $0xFFFFFB80  }
0x6a: {  	[tilespmem:$0x5500] =	vst v0  }
0x6b: {  	[tilespmem:$0x5590] =	vst v0  }
0x6c: {  	[tilespmem:$0x5620] =	vst v0  }
0x6d: {  	[tilespmem:$0x56B0] =	vst v0  }
0x6e: {  	[tilespmem:$0x5740] =	vst v0  }
0x6f: {  	[tilespmem:$0x57D0] =	vst v0  }
0x70: {  	[tilespmem:$0x5860] =	vst v0  }
0x71: {  	[tilespmem:$0x58F0] =	vst v0  }
0x72: {  	[tilespmem:$0x5980] =	vst v0  }
0x73: {  	[tilespmem:$0x5A10] =	vst v0  }
0x74: {  	[tilespmem:$0x5AA0] =	vst v0  }
0x75: {  	[tilespmem:$0x5B30] =	vst v0  }
0x76: {  	[tilespmem:$0x5BC0] =	vst v0  }
0x77: {  	[tilespmem:$0x5C50] =	vst v0  }
0x78: {  	[tilespmem:$0x5CE0] =	vst v0  }
0x79: {  	[tilespmem:$0x5D70] =	vst v0  }
0x7a: {  	[tilespmem:$0x5E00] =	vst v0  }
0x7b: {  	[tilespmem:$0x5E90] =	vst v0  }
0x7c: {  	[tilespmem:$0x5F20] =	vst v0  }
0x7d: {  	[tilespmem:$0x5FB0] =	vst v0  }
0x7e: {  	[tilespmem:$0x6040] =	vst v0  }
0x7f: {  	[tilespmem:$0x60D0] =	vst v0  }
0x80: {  	[tilespmem:$0x6160] =	vst v0  }
0x81: {  	[tilespmem:$0x61F0] =	vst v0  }
0x82: {  	[tilespmem:$0x6280] =	vst v0  }
0x83: {  	[tilespmem:$0x6310] =	vst v0  }
0x84: {  	[tilespmem:$0x63A0] =	vst v0  }
0x85: {  	[tilespmem:$0x6430] =	vst v0  }
0x86: {  	[tilespmem:$0x64C0] =	vst v0  }
0x87: {  	[tilespmem:$0x6550] =	vst v0  }
0x88: {  	[tilespmem:$0x65E0] =	vst v0  }
0x89: {  	[tilespmem:$0x6670] =	vst v0  }
0x8a: {  	[bflag:$0x0] =	sbarrier.arrive $0xFFFF  }
0x8b: {  	s2 =	simm.s32 $0x0;
	s5 =	rddreg [dreg:$0x5]  }
0x8c: {  	[tilespmem:s2], [sflag:$0x3] =	stream.linear.gather [hbm4b:s5+s2], $0x20, $0x38;
	[tilespmem:$0x1D300] =	vst v63  }
0x8d: {  	_ =	swait.ge [sflag:s17], $0x20  }
0x8e: {  	[sflag:s17] =	ssyncset.done $0x0  }
0x8f: {  	s7 =	rddreg [dreg:$0x6];
	[sflag:s17] =	ssyncadd.s32 $0xFFFFFFE0  }
0x90: {  	[tilespmem:s18], [sflag:$0x3] =	stream.linear.gather [hbm4b:s7+s2], $0x20, $0x38;
	[tilespmem:$0x1D300] =	vst v63  }
0x91: {  	_ =	swait.ge [sflag:s17], $0x20  }
0x92: {  	[sflag:s17] =	ssyncset.done $0x0  }
0x93: {  	s6 =	simm.s32 $0x2840;
	s8 =	rddreg [dreg:$0x7];
	[sflag:s17] =	ssyncadd.s32 $0xFFFFFFE0  }
0x94: {  	[tilespmem:s6], [sflag:$0x3] =	stream.linear.gather [hbm4b:s8+s2], $0x200, $0x38;
	[tilespmem:$0x1D300] =	vst v63  }
0x95: {  	_ =	swait.ge [sflag:s17], $0x200  }
0x96: {  	[sflag:s17] =	ssyncset.done $0x0  }
0x97: {  	s9 =	simm.s32 $0x40;
	[sflag:s17] =	ssyncadd.s32 $0xFFFFFE00  }
0x98: {  	[tilespmem:s9], [sflag:$0x1] =	stream.indirect.gather [hbm4b:s4+s18], $0xA0, s2, s18, $0xb8;
	[tilespmem:$0x1D300] =	vst v63  }
0x99: {  	s19 =	simm.s32 $0x1440  }
0x9a: {  	[tilespmem:s19], [sflag:$0x1] =	stream.indirect.gather [hbm4b:s4+s18], $0xA0, s18, s18, $0xb8;
	[tilespmem:$0x1D300] =	vst v63  }
0x9b: {  	s20 =	sadd.s32 $0x0, s15  }
0x9c: {  	[tilespmem:s22], [sflag:$0x3] =	stream.linear.gather [hbm4b:s20+s3], $0x20, $0x38;
	[tilespmem:$0x1D300] =	vst v63  }
0x9d: {  	_ =	swait.ge [sflag:s17], $0x20  }
0x9e: {  	[sflag:s17] =	ssyncset.done $0x0  }
0x9f: {  	s21 =	sadd.s32 $0x0, s14;
	[sflag:s17] =	ssyncadd.s32 $0xFFFFFFE0  }
0xa0: {  	[tilespmem:s23], [sflag:$0x3] =	stream.linear.gather [hbm4b:s21+s3], $0x20, $0x38;
	[tilespmem:$0x1D300] =	vst v63  }
0xa1: {  	_ =	swait.ge [sflag:s17], $0x20  }
0xa2: {  	[sflag:s17] =	ssyncset.done $0x0  }
0xa3: {  	[sflag:s17] =	ssyncadd.s32 $0xFFFFFFE0  }
0xa4: {  	[tilespmem:s24], [sflag:$0x3] =	stream.linear.gather [hbm4b:s13+s3], $0x200, $0x38;
	[tilespmem:$0x1D300] =	vst v63  }
0xa5: {  	_ =	swait.ge [sflag:s17], $0x200  }
0xa6: {  	[sflag:s17] =	ssyncset.done $0x0  }
0xa7: {  	[sflag:s17] =	ssyncadd.s32 $0xFFFFFE00  }
0xa8: {  	[tilespmem:s26], [sflag:$0x2] =	stream.indirect.gather [hbm4b:s4+s18], $0xA0, s22, s18, $0xb8;
	[tilespmem:$0x1D300] =	vst v63  }
0xa9: {  	_ = 	snop  }
0xaa: {  	[tilespmem:s28], [sflag:$0x2] =	stream.indirect.gather [hbm4b:s4+s18], $0xA0, s23, s18, $0xb8;
	[tilespmem:$0x1D300] =	vst v63  }
0xab: {  	_ =	swait.ge [sflag:s29], $0x1400  }
0xac: {  	[sflag:s29] =	ssyncset.done $0x0  }
0xad: {  	[sflag:s29] =	ssyncadd.s32 $0xFFFFEC00  }
0xae: {  	_ =	swait.ge [sflag:s29], $0x1400  }
0xaf: {  	[sflag:s29] =	ssyncset.done $0x0  }
0xb0: {  	[sflag:s29] =	ssyncadd.s32 $0xFFFFEC00  }
0xb1: {  	[spmem:s1] =	stream.indirect.scatter.add.f32 [tilespmem:s30], [sflag:$0x3], $0x90, s18, s18, $0xb8;
	[tilespmem:$0x1D300] =	vst v63  }
0xb2: {  	p0 =	por $0x0, $0x0;
	_ =	swait.ge [sflag:s17], $0x1200  }
0xb3: {  	s5 =	simm.s32 @!p0 $0x0;
	[sflag:s17] =	ssyncset.done $0x0  }
0xb4: {  	s2 =	sadd.s32 @!p0 $0x0, s12;
	s19 =	simm.s32 @!p0 $0x3;
	[sflag:s17] =	ssyncadd.s32 $0xFFFFEE00  }
0xb5: {  	[tilespmem:s5], [sflag:$0x3] =	stream.linear.gather @!p0 [hbm4b:s2+s5], $0x20, $0x38;
	[tilespmem:$0x1D300] =	vst v63  }
0xb6: {  	_ =	swait.ge @!p0 [sflag:s19], $0x20  }
0xb7: {  	s2 =	rddreg [dreg:$0x4];
	[sflag:s19] =	ssyncset.done @!p0 $0x0  }
0xb8: {  	s20 =	simm.s32 @!p0 $0x20;
	[sflag:s19] =	ssyncadd.s32 @!p0 $0xFFFFFFE0;
	s2 =	sadd.s32 @!p0 $0x0, s2  }
0xb9: {  	[tilespmem:s20], [sflag:$0x3] =	stream.linear.gather @!p0 [hbm4b:s2+s5], $0x20, $0x38;
	[tilespmem:$0x1D300] =	vst v63  }
0xba: {  	_ =	swait.ge @!p0 [sflag:s19], $0x20  }
0xbb: {  	[sflag:s19] =	ssyncset.done @!p0 $0x0  }
0xbc: {  	s2 =	simm.s32 @!p0 $0x2840;
	[sflag:s19] =	ssyncadd.s32 @!p0 $0xFFFFFFE0  }
0xbd: {  	[tilespmem:s2], [sflag:$0x3] =	stream.linear.gather @!p0 [hbm4b:s11+s5], $0x200, $0x38;
	[tilespmem:$0x1D300] =	vst v63  }
0xbe: {  	_ =	swait.ge @!p0 [sflag:s19], $0x200  }
0xbf: {  	[sflag:s19] =	ssyncset.done @!p0 $0x0  }
0xc0: {  	s2 =	simm.s32 @!p0 $0x40;
	[sflag:s19] =	ssyncadd.s32 @!p0 $0xFFFFFE00  }
0xc1: {  	[tilespmem:s2], [sflag:$0x1] =	stream.indirect.gather @!p0 [hbm4b:s4+s20], $0xA0, s5, s20, $0xb8;
	[tilespmem:$0x1D300] =	vst v63  }
0xc2: {  	s2 =	simm.s32 @!p0 $0x1440  }
0xc3: {  	[tilespmem:s2], [sflag:$0x1] =	stream.indirect.gather @!p0 [hbm4b:s4+s20], $0xA0, s20, s20, $0xb8;
	[tilespmem:$0x1D300] =	vst v63  }
0xc4: {  	_ =	swait.ge [sflag:s31], $0x1400  }
0xc5: {  	[sflag:s31] =	ssyncset.done $0x0  }
0xc6: {  	[sflag:s31] =	ssyncadd.s32 $0xFFFFEC00  }
0xc7: {  	_ =	swait.ge [sflag:s31], $0x1400  }
0xc8: {  	[sflag:s31] =	ssyncset.done $0x0  }
0xc9: {  	s21 =	sadd.s32 $0x80, s13;
	s19 =	sadd.s32 $0x80, s11;
	[sflag:s31] =	ssyncadd.s32 $0xFFFFEC00  }
0xca: {  	[spmem:s1] =	stream.indirect.scatter.add.f32 [tilespmem:s30], [sflag:$0x3], $0x90, s23, s18, $0xb8;
	[tilespmem:$0x1D300] =	vst v63  }
0xcb: {  	s20 =	simm.s32 $0x8;
	s2 =	simm.s32 $0x10;
	_ =	swait.ge [sflag:s17], $0x1200  }
.LBB2_4:
0xcc: {  	[sflag:s17] =	ssyncset.done $0x0  }
0xcd: {  	s6 =	sadd.s32 s20, s15;
	[sflag:s17] =	ssyncadd.s32 $0xFFFFEE00  }
0xce: {  	[tilespmem:s22], [sflag:$0x3] =	stream.linear.gather [hbm4b:s6+s3], $0x20, $0x38;
	[tilespmem:$0x1D300] =	vst v63  }
0xcf: {  	_ =	swait.ge [sflag:s17], $0x20  }
0xd0: {  	[sflag:s17] =	ssyncset.done $0x0  }
0xd1: {  	s9 =	sadd.s32 s20, s14;
	[sflag:s17] =	ssyncadd.s32 $0xFFFFFFE0  }
0xd2: {  	[tilespmem:s23], [sflag:$0x3] =	stream.linear.gather [hbm4b:s9+s3], $0x20, $0x38;
	[tilespmem:$0x1D300] =	vst v63  }
0xd3: {  	_ =	swait.ge [sflag:s17], $0x20  }
0xd4: {  	[sflag:s17] =	ssyncset.done $0x0  }
0xd5: {  	[sflag:s17] =	ssyncadd.s32 $0xFFFFFFE0  }
0xd6: {  	[tilespmem:s24], [sflag:$0x3] =	stream.linear.gather [hbm4b:s21+s3], $0x200, $0x38;
	[tilespmem:$0x1D300] =	vst v63  }
0xd7: {  	_ =	swait.ge [sflag:s17], $0x200  }
0xd8: {  	[sflag:s17] =	ssyncset.done $0x0  }
0xd9: {  	[sflag:s17] =	ssyncadd.s32 $0xFFFFFE00  }
0xda: {  	[tilespmem:s26], [sflag:$0x2] =	stream.indirect.gather [hbm4b:s4+s18], $0xA0, s22, s18, $0xb8;
	[tilespmem:$0x1D300] =	vst v63  }
0xdb: {  	_ = 	snop  }
0xdc: {  	[tilespmem:s28], [sflag:$0x2] =	stream.indirect.gather [hbm4b:s4+s18], $0xA0, s23, s18, $0xb8;
	[tilespmem:$0x1D300] =	vst v63  }
0xdd: {  	_ =	swait.ge [sflag:s29], $0x1400  }
0xde: {  	[sflag:s29] =	ssyncset.done $0x0  }
0xdf: {  	[sflag:s29] =	ssyncadd.s32 $0xFFFFEC00  }
0xe0: {  	_ =	swait.ge [sflag:s29], $0x1400  }
0xe1: {  	[sflag:s29] =	ssyncset.done $0x0  }
0xe2: {  	[sflag:s29] =	ssyncadd.s32 $0xFFFFEC00  }
0xe3: {  	[spmem:s1] =	stream.indirect.scatter.add.f32 [tilespmem:s30], [sflag:$0x3], $0x90, s18, s18, $0xb8;
	[tilespmem:$0x1D300] =	vst v63  }
0xe4: {  	p1 =	seq.s32 s20, $0x278;
	_ =	swait.ge [sflag:s17], $0x1200  }
0xe5: {  	s7 =	simm.s32 @!p1 $0x0;
	[sflag:s17] =	ssyncset.done $0x0  }
0xe6: {  	s8 =	simm.s32 @!p1 $0x3;
	s6 =	sadd.s32 @!p1 s20, s12;
	[sflag:s17] =	ssyncadd.s32 $0xFFFFEE00  }
0xe7: {  	[tilespmem:s7], [sflag:$0x3] =	stream.linear.gather @!p1 [hbm4b:s6+s7], $0x20, $0x38;
	[tilespmem:$0x1D300] =	vst v63  }
0xe8: {  	_ =	swait.ge @!p1 [sflag:s8], $0x20  }
0xe9: {  	[sflag:s8] =	ssyncset.done @!p1 $0x0;
	s6 =	rddreg [dreg:$0x4]  }
0xea: {  	s9 =	simm.s32 @!p1 $0x20;
	[sflag:s8] =	ssyncadd.s32 @!p1 $0xFFFFFFE0;
	s6 =	sadd.s32 @!p1 s20, s6  }
0xeb: {  	[tilespmem:s9], [sflag:$0x3] =	stream.linear.gather @!p1 [hbm4b:s6+s7], $0x20, $0x38;
	[tilespmem:$0x1D300] =	vst v63  }
0xec: {  	_ =	swait.ge @!p1 [sflag:s8], $0x20  }
0xed: {  	s5 =	smov.u32 s2;
	[sflag:s8] =	ssyncset.done @!p1 $0x0  }
0xee: {  	s20 =	smov.u32 s5;
	s5 =	simm.s32 @!p1 $0x2840;
	[sflag:s8] =	ssyncadd.s32 @!p1 $0xFFFFFFE0  }
0xef: {  	[tilespmem:s5], [sflag:$0x3] =	stream.linear.gather @!p1 [hbm4b:s19+s7], $0x200, $0x38;
	[tilespmem:$0x1D300] =	vst v63  }
0xf0: {  	_ =	swait.ge @!p1 [sflag:s8], $0x200  }
0xf1: {  	[sflag:s8] =	ssyncset.done @!p1 $0x0  }
0xf2: {  	s5 =	simm.s32 @!p1 $0x40;
	[sflag:s8] =	ssyncadd.s32 @!p1 $0xFFFFFE00  }
0xf3: {  	[tilespmem:s5], [sflag:$0x1] =	stream.indirect.gather @!p1 [hbm4b:s4+s9], $0xA0, s7, s9, $0xb8;
	[tilespmem:$0x1D300] =	vst v63  }
0xf4: {  	s6 =	simm.s32 @!p1 $0x1440  }
0xf5: {  	[tilespmem:s6], [sflag:$0x1] =	stream.indirect.gather @!p1 [hbm4b:s4+s9], $0xA0, s9, s9, $0xb8;
	[tilespmem:$0x1D300] =	vst v63  }
0xf6: {  	_ =	swait.ge [sflag:s31], $0x1400  }
0xf7: {  	s2 =	sadd.s32 $0x8, s2;
	[sflag:s31] =	ssyncset.done $0x0  }
0xf8: {  	p0 =	sne.s32 s2, $0x280;
	[sflag:s31] =	ssyncadd.s32 $0xFFFFEC00  }
.Ltmp1:
0xf9: {  	_ =	swait.ge [sflag:s31], $0x1400;
	(pc) =	sbr.rel @p0 .LBB2_4-.Ltmp1, $4  }
0xfa: {  	[sflag:s31] =	ssyncset.done $0x0  }
0xfb: {  	[sflag:s31] =	ssyncadd.s32 $0xFFFFEC00  }
0xfc: {  	[spmem:s1] =	stream.indirect.scatter.add.f32 [tilespmem:s30], [sflag:$0x3], $0x90, s23, s18, $0xb8;
	[tilespmem:$0x1D300] =	vst v63  }
0xfd: {  	s21 =	sadd.s32 $0x80, s21;
	s19 =	sadd.s32 $0x80, s19;
	_ =	swait.ge [sflag:s17], $0x1200  }
0xfe: {  	[sflag:s17] =	ssyncset.done $0x0  }
0xff: {  	s2 =	sadd.s32 s20, s15;
	[sflag:s17] =	ssyncadd.s32 $0xFFFFEE00  }
0x100: {  	[tilespmem:s22], [sflag:$0x3] =	stream.linear.gather [hbm4b:s2+s3], $0x20, $0x38;
	[tilespmem:$0x1D300] =	vst v63  }
0x101: {  	_ =	swait.ge [sflag:s17], $0x20  }
0x102: {  	[sflag:s17] =	ssyncset.done $0x0  }
0x103: {  	s9 =	sadd.s32 s20, s14;
	[sflag:s17] =	ssyncadd.s32 $0xFFFFFFE0  }
0x104: {  	[tilespmem:s23], [sflag:$0x3] =	stream.linear.gather [hbm4b:s9+s3], $0x20, $0x38;
	[tilespmem:$0x1D300] =	vst v63  }
0x105: {  	_ =	swait.ge [sflag:s17], $0x20  }
0x106: {  	[sflag:s17] =	ssyncset.done $0x0  }
0x107: {  	[sflag:s17] =	ssyncadd.s32 $0xFFFFFFE0  }
0x108: {  	[tilespmem:s24], [sflag:$0x3] =	stream.linear.gather [hbm4b:s21+s3], $0x200, $0x38;
	[tilespmem:$0x1D300] =	vst v63  }
0x109: {  	_ =	swait.ge [sflag:s17], $0x200  }
0x10a: {  	[sflag:s17] =	ssyncset.done $0x0  }
0x10b: {  	[sflag:s17] =	ssyncadd.s32 $0xFFFFFE00  }
0x10c: {  	[tilespmem:s26], [sflag:$0x2] =	stream.indirect.gather [hbm4b:s4+s18], $0xA0, s22, s18, $0xb8;
	[tilespmem:$0x1D300] =	vst v63  }
0x10d: {  	_ = 	snop  }
0x10e: {  	[tilespmem:s28], [sflag:$0x2] =	stream.indirect.gather [hbm4b:s4+s18], $0xA0, s23, s18, $0xb8;
	[tilespmem:$0x1D300] =	vst v63  }
0x10f: {  	_ =	swait.ge [sflag:s29], $0x1400  }
0x110: {  	[sflag:s29] =	ssyncset.done $0x0  }
0x111: {  	[sflag:s29] =	ssyncadd.s32 $0xFFFFEC00  }
0x112: {  	_ =	swait.ge [sflag:s29], $0x1400  }
0x113: {  	[sflag:s29] =	ssyncset.done $0x0  }
0x114: {  	[sflag:s29] =	ssyncadd.s32 $0xFFFFEC00  }
0x115: {  	[spmem:s1] =	stream.indirect.scatter.add.f32 [tilespmem:s30], [sflag:$0x3], $0x90, s18, s18, $0xb8;
	[tilespmem:$0x1D300] =	vst v63  }
0x116: {  	p0 =	seq.s32 s20, $0x278;
	_ =	swait.ge [sflag:s17], $0x1200  }
0x117: {  	s5 =	simm.s32 @!p0 $0x0;
	[sflag:s17] =	ssyncset.done $0x0  }
0x118: {  	s6 =	simm.s32 @!p0 $0x3;
	s2 =	sadd.s32 @!p0 s20, s12;
	[sflag:s17] =	ssyncadd.s32 $0xFFFFEE00  }
0x119: {  	[tilespmem:s5], [sflag:$0x3] =	stream.linear.gather @!p0 [hbm4b:s2+s5], $0x20, $0x38;
	[tilespmem:$0x1D300] =	vst v63  }
0x11a: {  	_ =	swait.ge @!p0 [sflag:s6], $0x20  }
0x11b: {  	s2 =	rddreg [dreg:$0x4];
	[sflag:s6] =	ssyncset.done @!p0 $0x0  }
0x11c: {  	s7 =	simm.s32 @!p0 $0x20;
	[sflag:s6] =	ssyncadd.s32 @!p0 $0xFFFFFFE0;
	s2 =	sadd.s32 @!p0 s20, s2  }
0x11d: {  	[tilespmem:s7], [sflag:$0x3] =	stream.linear.gather @!p0 [hbm4b:s2+s5], $0x20, $0x38;
	[tilespmem:$0x1D300] =	vst v63  }
0x11e: {  	_ =	swait.ge @!p0 [sflag:s6], $0x20  }
0x11f: {  	[sflag:s6] =	ssyncset.done @!p0 $0x0  }
0x120: {  	s2 =	simm.s32 @!p0 $0x2840;
	[sflag:s6] =	ssyncadd.s32 @!p0 $0xFFFFFFE0  }
0x121: {  	[tilespmem:s2], [sflag:$0x3] =	stream.linear.gather @!p0 [hbm4b:s19+s5], $0x200, $0x38;
	[tilespmem:$0x1D300] =	vst v63  }
0x122: {  	_ =	swait.ge @!p0 [sflag:s6], $0x200  }
0x123: {  	[sflag:s6] =	ssyncset.done @!p0 $0x0  }
0x124: {  	s2 =	simm.s32 @!p0 $0x40;
	[sflag:s6] =	ssyncadd.s32 @!p0 $0xFFFFFE00  }
0x125: {  	[tilespmem:s2], [sflag:$0x1] =	stream.indirect.gather @!p0 [hbm4b:s4+s7], $0xA0, s5, s7, $0xb8;
	[tilespmem:$0x1D300] =	vst v63  }
0x126: {  	s2 =	simm.s32 @!p0 $0x1440  }
0x127: {  	[tilespmem:s2], [sflag:$0x1] =	stream.indirect.gather @!p0 [hbm4b:s4+s7], $0xA0, s7, s7, $0xb8;
	[tilespmem:$0x1D300] =	vst v63  }
0x128: {  	_ =	swait.ge [sflag:s31], $0x1400  }
0x129: {  	[sflag:s31] =	ssyncset.done $0x0  }
0x12a: {  	[sflag:s31] =	ssyncadd.s32 $0xFFFFEC00  }
0x12b: {  	_ =	swait.ge [sflag:s31], $0x1400  }
0x12c: {  	[sflag:s31] =	ssyncset.done $0x0  }
0x12d: {  	[sflag:s31] =	ssyncadd.s32 $0xFFFFEC00  }
0x12e: {  	[spmem:s1] =	stream.indirect.scatter.add.f32 [tilespmem:s30], [sflag:$0x3], $0x90, s23, s18, $0xb8;
	[tilespmem:$0x1D300] =	vst v63  }
0x12f: {  	_ =	swait.ge [sflag:s17], $0x1200  }
0x130: {  	[sflag:s17] =	ssyncset.done $0x0  }
0x131: {  	s19 =	stileid.u32;
	[sflag:s17] =	ssyncadd.s32 $0xFFFFEE00  }
0x132: {  	s2 =	sshll.u32 s19, $0x6;
	[bflag:$0x0] =	sbarrier.arrive $0xFFFF  }
0x133: {  	s2 =	sor.u32 $0x1C03, s2;
	s20 =	rddreg [dreg:$0x8]  }
0x134: {  	[hbm:s20], [sflag:s2] =	dma.local [spmem:s25], $0x2D00  }
0x135: {  	_ =	swait.ge [sflag:s17], $0x2D00  }
0x136: {  	s0 =	sadd.s32 $0x1, s0;
	s21 =	rddreg [dreg:$0x9]  }
0x137: {  	p0 =	sne.s32 s0, s21  }
.Ltmp2:
0x138: {  	_ = 	snop;
	(pc) =	sbr.rel @p0 .LBB2_1-.Ltmp2, $3  }
0x139: {  	_ =	sdelay $0x1  }
0x13a: {  	[sflag:s17] =	ssyncset.done $0x0  }
0x13b: {  	[sflag:s17] =	ssyncadd.s32 $0xFFFFD300  }
0x13c: {  	_ =	sfence.sel $0x180000  }
0x13d: {  	[bflag:$0x0] =	sbarrier.arrive $0xFFFF  }
0x13e: {  	_ =	strace $0x90000047  }
0x13f: {  	s0 =	stileid.u32;
	[bflag:$0x2] =	sbarrier.arrive $0xFFFF  }
0x140: {  	p0 =	sne.s32 s0, $0x0;
	s0 =	rddreg [dreg:$0x3]  }
0x141: {  	s0 =	sadd.s32 @!p0 $0x100000, s0  }
0x142: {  	[sflag:s0] =	ssyncadd.tile.s32 @!p0 $0x1;
	_ =	shalt  }
.Lfunc_end2:
_tile_overlayer_lowered:
.L_overlay_start_2:
0x143: {  	(tag) =	ssettag $0x2  }
0x144: {  	s0 =	rddreg [dreg:$0x0];
	s2 =	stileid.u32  }
0x145: {  	s1 =	rddreg [dreg:$0x1];
	p0 =	sne.s32 s2, $0x0  }
0x146: {  	s3 =	rddreg [dreg:$0x2];
	[bflag:$0x3] =	sbarrier.arrive $0xFFFF;
	s2 =	simm.s32 @!p0 $0x1C03  }
0x147: {  	[timem:s3], [sflag:s2] =	dma.local @!p0 [hbm:s0], s1  }
0x148: {  	s0 =	simm.s32 @!p0 $0x3  }
0x149: {  	_ =	swait.ge @!p0 [sflag:s0], s1  }
0x14a: {  	s1 =	ssub.s32 @!p0 $0x0, s1;
	[sflag:s0] =	ssyncset.done @!p0 $0x0  }
0x14b: {  	[sflag:s0] =	ssyncadd.s32 @!p0 s1  }
0x14c: {  	[bflag:$0x3] =	sbarrier.arrive $0xFFFF  }
0x14d: {  	_ =	shalt  }

</sc_bundles>
